<compile_context>
chip_gen: v7x
topology: tpu7x:2x2x1
jax: 0.10.2.dev20260603
libtpu: 0.0.44.dev20260713+nightly
codegen_flags: <defaults>
</compile_context>

<pallas_src>
import functools

import jax
import jax.numpy as jnp
import numpy as np
from jax import lax
from jax.experimental import pallas as pl
from jax.experimental.pallas import tpu as pltpu
from jax.experimental.pallas import tpu_sc as plsc

N = 10000
E = 320000
C = 16
NB = 16
NH = 64
MAX_R = 2.5

NUM_TILES = 32
IDX_B = 128
EPT = E // NUM_TILES
FB = EPT // IDX_B
TAIL = EPT - FB * IDX_B
MSG_W = 32
N_PAD = 10112
NPS = N_PAD // 16

TE = 6400


GCH = 512
GNC = EPT // GCH
GTOFF = GNC * GCH
GTAIL = EPT - GTOFF


def _sc_gather_body(fin_hbm, src_hbm, dst_hbm, xs_hbm, xd_hbm,
                    idxs_v, idxd_v, rows_s, rows_d,
                    semg_s0, semg_s1, semg_d0, semg_d1,
                    semw_s0, semw_s1, semw_d0, semw_d1):
    cid = lax.axis_index("c")
    sid = lax.axis_index("s")
    wid = cid * 16 + sid
    base0 = wid * EPT

    semg = ((semg_s0, semg_d0), (semg_s1, semg_d1))
    semw = ((semw_s0, semw_d0), (semw_s1, semw_d1))

    pltpu.sync_copy(src_hbm.at[pl.ds(base0, EPT)], idxs_v)
    pltpu.sync_copy(dst_hbm.at[pl.ds(base0, EPT)], idxd_v)

    def fire_g(c, b):
        off = c * GCH
        for k in range(GCH // IDX_B):
            sl = pl.ds(off + k * IDX_B, IDX_B)
            bl = pl.ds(k * IDX_B, IDX_B)
            pltpu.async_copy(fin_hbm.at[idxs_v.at[sl]], rows_s.at[b, bl],
                             semg[b][0])
            pltpu.async_copy(fin_hbm.at[idxd_v.at[sl]], rows_d.at[b, bl],
                             semg[b][1])

    def wait_g(b, n=GCH):
        sl = pl.ds(0, n)
        pltpu.make_async_copy(fin_hbm.at[sl], rows_s.at[b, sl],
                              semg[b][0]).wait()
        pltpu.make_async_copy(fin_hbm.at[sl], rows_d.at[b, sl],
                              semg[b][1]).wait()

    def fire_w(c, b):
        off = base0 + c * GCH
        pltpu.async_copy(rows_s.at[b], xs_hbm.at[pl.ds(off, GCH)], semw[b][0])
        pltpu.async_copy(rows_d.at[b], xd_hbm.at[pl.ds(off, GCH)], semw[b][1])

    def wait_w(b, n=GCH):
        sl = pl.ds(0, n)
        pltpu.make_async_copy(rows_s.at[b, sl], xs_hbm.at[pl.ds(base0, n)],
                              semw[b][0]).wait()
        pltpu.make_async_copy(rows_d.at[b, sl], xd_hbm.at[pl.ds(base0, n)],
                              semw[b][1]).wait()

    def pair(i, carry):
        c0 = 2 * i

        @pl.when(i >= 1)
        def _():
            wait_w(0)
        fire_g(c0, 0)

        @pl.when(i >= 1)
        def _():
            wait_g(1)
            fire_w(c0 - 1, 1)
            wait_w(1)

        fire_g(c0 + 1, 1)
        wait_g(0)
        fire_w(c0, 0)
        return carry

    lax.fori_loop(0, GNC // 2, pair, 0)

    wait_w(0)
    fire_g(GNC - 1, 0)
    wait_g(1)
    fire_w(GNC - 2, 1)
    wait_w(1)

    for (o, n) in ((0, IDX_B), (IDX_B, IDX_B), (2 * IDX_B, TAIL)):
        sl = pl.ds(GTOFF + o, n)
        bl = pl.ds(o, n)
        pltpu.async_copy(fin_hbm.at[idxs_v.at[sl]], rows_s.at[1, bl], semg_s1)
        pltpu.async_copy(fin_hbm.at[idxd_v.at[sl]], rows_d.at[1, bl], semg_d1)
    wait_g(0)
    fire_w(GNC - 1, 0)
    wait_g(1, GTAIL)
    pltpu.async_copy(rows_s.at[1, pl.ds(0, GTAIL)],
                     xs_hbm.at[pl.ds(base0 + GTOFF, GTAIL)], semw_s1)
    pltpu.async_copy(rows_d.at[1, pl.ds(0, GTAIL)],
                     xd_hbm.at[pl.ds(base0 + GTOFF, GTAIL)], semw_d1)
    wait_w(0)
    wait_w(1, GTAIL)


@jax.jit
def _sc_gather(f_in, src, dst):
    mesh = plsc.VectorSubcoreMesh(core_axis_name="c", subcore_axis_name="s")
    return pl.kernel(
        _sc_gather_body,
        out_type=[
            jax.ShapeDtypeStruct((E, C), jnp.float32),
            jax.ShapeDtypeStruct((E, C), jnp.float32),
        ],
        mesh=mesh,
        compiler_params=pltpu.CompilerParams(use_tc_tiling_on_sc=False),
        scratch_types=[
            pltpu.VMEM((EPT,), jnp.int32),
            pltpu.VMEM((EPT,), jnp.int32),
            pltpu.VMEM((2, GCH, C), jnp.float32),
            pltpu.VMEM((2, GCH, C), jnp.float32),
        ] + [pltpu.SemaphoreType.DMA] * 8,
    )(f_in, src, dst)


def _soft_unit(x):
    safe = jnp.where(x > 0.0, x, 1.0)
    return jnp.where(x > 0.0, jnp.exp(-1.0 / safe), 0.0)


def _tc_edge_body(ev_ref, xs_ref, xd_ref, wqT_ref, wdotT_ref,
                  w1kT_ref, w2kT_ref, w1vT_ref, w2vT_ref,
                  repT_ref, tile_ref, msg_ref):
    f32 = jnp.float32
    ev = ev_ref[...]
    len2 = jnp.sum(ev * ev, axis=0, keepdims=True)
    el = jnp.sqrt(len2)

    step = MAX_R / (NB + 1)
    centers = ((lax.broadcasted_iota(jnp.int32, (NB, 1), 0).astype(f32)
                + 1.0) * step)
    diff = (el - centers) * (1.0 / step)
    a = diff + 1.0
    b = 1.0 - diff
    good = (a > 0.0) & (b > 0.0)
    sa = jnp.where(good, a, 1.0)
    sb = jnp.where(good, b, 1.0)
    embT = jnp.where(
        good,
        (1.14136 * np.exp(2.0) * (NB ** 0.5)) * jnp.exp(-1.0 / sa - 1.0 / sb),
        0.0)
    cutoff = _soft_unit(10.0 * (1.0 - el * (1.0 / MAX_R)))

    w1kv = jnp.concatenate([w1kT_ref[...], w1vT_ref[...]], axis=0)
    hkv = jax.nn.relu(jnp.dot(w1kv, embT, preferred_element_type=f32)
                      ) * (np.sqrt(2.0) / np.sqrt(NB))
    wkT = jnp.dot(w2kT_ref[...], hkv[0:NH, :], preferred_element_type=f32) \
        * (1.0 / np.sqrt(NH))
    wvT = jnp.dot(w2vT_ref[...], hkv[NH:2 * NH, :], preferred_element_type=f32) \
        * (1.0 / np.sqrt(NH))

    xsT = xs_ref[...].T
    xdT = xd_ref[...].T

    xsrepT = jnp.dot(repT_ref[...], xsT, preferred_element_type=f32)
    wqdT = jnp.dot(wdotT_ref[...], wqT_ref[...], preferred_element_type=f32)
    qdT = jnp.dot(wqdT, xdT, preferred_element_type=f32)

    kT = jnp.dot(tile_ref[...], xsrepT * wkT, preferred_element_type=f32)
    dotv = jnp.sum(kT * qdT, axis=0, keepdims=True) * (1.0 / 256.0)

    vT = jnp.dot(tile_ref[...], xsrepT * wvT, preferred_element_type=f32) \
        * 0.25

    ex = cutoff * jnp.exp(dotv)
    svT = jnp.sqrt(ex) * vT
    pad = jnp.zeros((MSG_W - C - 1, svT.shape[1]), f32)
    msg_ref[...] = jnp.concatenate([svT, ex, pad], axis=0).T


@jax.jit
def _tc_edge(edge_vecT, x_src, x_dst, W_q, W_dot, W1_k, W2_k, W1_v, W2_v,
             repT, tile):
    grid = (E // TE,)
    full = lambda shape: pl.BlockSpec(shape, lambda i: (0, 0))
    return pl.pallas_call(
        _tc_edge_body,
        grid=grid,
        in_specs=[
            pl.BlockSpec((3, TE), lambda i: (0, i)),
            pl.BlockSpec((TE, C), lambda i: (i, 0)),
            pl.BlockSpec((TE, C), lambda i: (i, 0)),
            full((C, C)),
            full((C, C)),
            full((NH, NB)),
            full((C * C, NH)),
            full((NH, NB)),
            full((C * C, NH)),
            full((C * C, C)),
            full((C, C * C)),
        ],
        out_specs=pl.BlockSpec((TE, MSG_W), lambda i: (i, 0)),
        out_shape=jax.ShapeDtypeStruct((E, MSG_W), jnp.float32),
    )(edge_vecT, x_src, x_dst, W_q.T, W_dot.T, W1_k.T, W2_k.T, W1_v.T,
      W2_v.T, repT, tile)


SCH = 1024
SNC = EPT // SCH
STOFF = SNC * SCH
STAIL = EPT - STOFF


def _sc_scatter_body(msg_hbm, dst_hbm, acc_hbm, shared, zero_v, idx2d,
                     idx_t, data, sem_i, semd0, semd1, semsc0, semsc1):
    cid = lax.axis_index("c")
    sid = lax.axis_index("s")
    wid = cid * 16 + sid
    base0 = wid * EPT

    semd = (semd0, semd1)
    semsc = (semsc0, semsc1)

    def irow(r, carry):
        pltpu.async_copy(dst_hbm.at[pl.ds(base0 + r * IDX_B, IDX_B)],
                         idx2d.at[r], sem_i)
        return carry

    lax.fori_loop(0, FB, irow, 0)
    pltpu.sync_copy(dst_hbm.at[pl.ds(base0 + FB * IDX_B, TAIL)], idx_t)

    z16 = jnp.zeros((16,), jnp.float32)

    def zrow(i, carry):
        zero_v[i, 0:16] = z16
        zero_v[i, 16:32] = z16
        return carry

    lax.fori_loop(0, NPS, zrow, 0)
    pltpu.sync_copy(zero_v, shared.at[pl.ds(sid * NPS, NPS)])

    def iwait(r, carry):
        pltpu.make_async_copy(dst_hbm.at[pl.ds(base0, IDX_B)],
                              idx2d.at[r], sem_i).wait()
        return carry

    lax.fori_loop(0, FB, iwait, 0)
    plsc.subcore_barrier()

    def fire_copy(c, b):
        pltpu.async_copy(msg_hbm.at[pl.ds(base0 + c * SCH, SCH)],
                         data.at[b], semd[b])

    def wait_d(b, n=SCH):
        pltpu.make_async_copy(msg_hbm.at[pl.ds(base0, n)],
                              data.at[b, pl.ds(0, n)], semd[b]).wait()

    def fire_sc(c, b):
        for k in range(SCH // IDX_B):
            pltpu.async_copy(data.at[b, pl.ds(k * IDX_B, IDX_B)],
                             shared.at[idx2d.at[c * (SCH // IDX_B) + k]],
                             semsc[b], add=True)

    def wait_sc(b, n=SCH):
        pltpu.make_async_copy(data.at[b, pl.ds(0, n)],
                              shared.at[pl.ds(0, n)], semsc[b]).wait()

    def pair(i, carry):
        c0 = 2 * i

        @pl.when(i >= 1)
        def _():
            wait_sc(0)
        fire_copy(c0, 0)

        @pl.when(i >= 1)
        def _():
            wait_d(1)
            fire_sc(c0 - 1, 1)
            wait_sc(1)
        fire_copy(c0 + 1, 1)
        wait_d(0)
        fire_sc(c0, 0)
        return carry

    lax.fori_loop(0, (SNC - 1) // 2, pair, 0)

    wait_sc(0)
    fire_copy(SNC - 1, 0)
    wait_d(1)
    fire_sc(SNC - 2, 1)
    wait_sc(1)
    pltpu.async_copy(msg_hbm.at[pl.ds(base0 + STOFF, STAIL)],
                     data.at[1, pl.ds(0, STAIL)], semd1)
    wait_d(0)
    fire_sc(SNC - 1, 0)
    wait_d(1, STAIL)
    for k in range(STAIL // IDX_B):
        pltpu.async_copy(data.at[1, pl.ds(k * IDX_B, IDX_B)],
                         shared.at[idx2d.at[SNC * (SCH // IDX_B) + k]],
                         semsc1, add=True)
    pltpu.async_copy(data.at[1, pl.ds(STAIL - TAIL, TAIL)],
                     shared.at[idx_t], semsc1, add=True)
    wait_sc(0)
    wait_sc(1, STAIL)

    plsc.subcore_barrier()
    pltpu.sync_copy(shared.at[pl.ds(sid * NPS, NPS)],
                    acc_hbm.at[cid, pl.ds(sid * NPS, NPS)])


@jax.jit
def _sc_scatter(msg, dst):
    mesh = plsc.VectorSubcoreMesh(core_axis_name="c", subcore_axis_name="s")
    return pl.kernel(
        _sc_scatter_body,
        out_type=jax.ShapeDtypeStruct((2, N_PAD, MSG_W), jnp.float32),
        mesh=mesh,
        compiler_params=pltpu.CompilerParams(use_tc_tiling_on_sc=False),
        scratch_types=[
            pltpu.VMEM_SHARED((N_PAD, MSG_W), jnp.float32),
            pltpu.VMEM((NPS, MSG_W), jnp.float32),
            pltpu.VMEM((FB, IDX_B), jnp.int32),
            pltpu.VMEM((TAIL,), jnp.int32),
            pltpu.VMEM((2, SCH, MSG_W), jnp.float32),
        ] + [pltpu.SemaphoreType.DMA] * 5,
    )(msg, dst)


TN = 2000


def _tc_final_body(acc_ref, out_ref):
    a = acc_ref[0] + acc_ref[1]
    s = a[:, 0:C]
    z = a[:, C:C + 1]
    zs = jnp.where(z == 0.0, 1.0, z)
    out_ref[...] = s * lax.rsqrt(zs)


@jax.jit
def _tc_final(acc):
    return pl.pallas_call(
        _tc_final_body,
        grid=(N // TN,),
        in_specs=[pl.BlockSpec((2, TN, MSG_W), lambda i: (0, i, 0))],
        out_specs=pl.BlockSpec((TN, C), lambda i: (i, 0)),
        out_shape=jax.ShapeDtypeStruct((N, C), jnp.float32),
    )(acc)


def _rep_mats():
    i = np.arange(C * C)
    repT = np.zeros((C * C, C), np.float32)
    repT[i, i // C] = 1.0
    tile = np.zeros((C, C * C), np.float32)
    tile[i % C, i] = 1.0
    return jnp.asarray(repT), jnp.asarray(tile)


def kernel(pos, f_in, edge_vec, W_q, W1_k, W2_k, W1_v, W2_v, W_dot,
           edge_src, edge_dst):
    src = edge_src.astype(jnp.int32)
    dst = edge_dst.astype(jnp.int32)
    x_src, x_dst = _sc_gather(f_in, src, dst)
    repT, tile = _rep_mats()
    msg = _tc_edge(edge_vec.T, x_src, x_dst, W_q, W_dot,
                   W1_k, W2_k, W1_v, W2_v, repT, tile)
    acc = _sc_scatter(msg, dst)
    return _tc_final(acc)

# --- scband reference (transcript-rebuilt; emitter-appended) ---
"""Pipeline reference for scband-se3-transformer-40759239639121 (READ-ONLY COPY).

The authoritative reference and input builder live on the scoring server;
editing this copy changes nothing except your own understanding.
"""

import jax, jax.numpy as jnp
import numpy as np

N = 10000
E = 320000
C = 16
NB = 16
NH = 64
MAX_R = 2.5


def soft_unit_step(x):
    # e3nn.math.soft_unit_step: exp(-1/x) for x>0 else 0 (safe where for grads)
    safe = jnp.where(x > 0.0, x, 1.0)
    return jnp.where(x > 0.0, jnp.exp(-1.0 / safe), 0.0)


def soft_one_hot_linspace(x, start, end, number):
    # e3nn.math.soft_one_hot_linspace, basis='smooth_finite', cutoff=True
    values = jnp.linspace(start, end, number + 2)
    step = values[1] - values[0]
    values = values[1:-1]
    diff = (x[..., None] - values) / step
    return 1.14136 * np.exp(2.0) * soft_unit_step(diff + 1.0) * soft_unit_step(1.0 - diff)


def setup_inputs(seed: int = 0) -> dict:
    key = jax.random.key(seed)
    ks = jax.random.split(key, 11)
    return {
        'pos': jax.random.normal(ks[0], (N, 3), dtype=jnp.float32),
        'f_in': jax.random.normal(ks[1], (N, C), dtype=jnp.float32),
        'edge_vec': 0.35 * jax.random.normal(ks[2], (E, 3), dtype=jnp.float32),
        'W_q': jax.random.normal(ks[3], (C, C), dtype=jnp.float32),
        'W1_k': jax.random.normal(ks[4], (NB, NH), dtype=jnp.float32),
        'W2_k': jax.random.normal(ks[5], (NH, C * C), dtype=jnp.float32),
        'W1_v': jax.random.normal(ks[6], (NB, NH), dtype=jnp.float32),
        'W2_v': jax.random.normal(ks[7], (NH, C * C), dtype=jnp.float32),
        'W_dot': jax.random.normal(ks[8], (C, C), dtype=jnp.float32),
        'edge_src': jax.random.randint(ks[9], (E,), 0, N),
        'edge_dst': jax.random.randint(ks[10], (E,), 0, N),
    }


def reference(pos, f_in, edge_vec, W_q, W1_k, W2_k, W1_v, W2_v, W_dot, edge_src, edge_dst):
    num_nodes = pos.shape[0]
    edge_len = jnp.linalg.norm(edge_vec, axis=1)
    # l_max=0: component-normalized spherical harmonics Y_0 == 1 for every edge,
    # so multiplying by sh is the identity; the FCTP 16x0e (x) 1x0e -> 16x0e
    # reduces to a per-edge 16x16 matvec with weights from the radial MLP.
    emb = soft_one_hot_linspace(edge_len, 0.0, MAX_R, NB) * (NB ** 0.5)
    cutoff = soft_unit_step(10.0 * (1.0 - edge_len / MAX_R))

    # h_q: e3nn o3.Linear 16x0e -> 16x0e (path-normalized)
    q = (f_in @ W_q) / np.sqrt(C)

    def radial_net(e, W1, W2):
        # e3nn FullyConnectedNet [NB, NH, weight_numel] with relu
        # (normalize2mom(relu) ~ sqrt(2) gain), fan-in normalized layers
        h = jax.nn.relu((e @ W1) / np.sqrt(NB)) * np.sqrt(2.0)
        return (h @ W2) / np.sqrt(NH)

    wk = radial_net(emb, W1_k, W2_k).reshape(-1, C, C)
    wv = radial_net(emb, W1_v, W2_v).reshape(-1, C, C)

    x_src = f_in[edge_src]  # gather over source nodes
    norm_tp = 1.0 / np.sqrt(C * 1)  # fan-in normalization of the FCTP
    k = jnp.einsum('ei,eio->eo', x_src, wk) * norm_tp
    v = jnp.einsum('ei,eio->eo', x_src, wv) * norm_tp

    # dot_product: FCTP(16x0e, 16x0e -> 0e), shared weights
    dot = jnp.einsum('ei,ij,ej->e', q[edge_dst], W_dot, k)[:, None] / np.sqrt(C * C)
    exp = cutoff[:, None] * jnp.exp(dot)
    z = jax.ops.segment_sum(exp, edge_dst, num_segments=num_nodes)
    z = jnp.where(z == 0.0, 1.0, z)
    alpha = exp / z[edge_dst]
    f_out = jax.ops.segment_sum(jnp.sqrt(jax.nn.relu(alpha)) * v, edge_dst, num_segments=num_nodes)
    return f_out

if __name__ == "__main__":
    import jax
    _d = setup_inputs()
    print(jax.jit(kernel)(*tuple(_d.values())))

</pallas_src>

<mosaic_0001>
#map = affine_map<(d0, d1) -> (0, 0)>
#map1 = affine_map<(d0, d1) -> (0)>
module attributes {stable_mosaic.version = 14 : i64} {
  func.func @_sc_gather_body(%arg0: i32, %arg1: i32, %arg2: memref<10000x16xf32, #tpu.memory_space<hbm>>, %arg3: memref<320000xi32, #tpu.memory_space<hbm>>, %arg4: memref<320000xi32, #tpu.memory_space<hbm>>, %arg5: memref<320000x16xf32, #tpu.memory_space<hbm>>, %arg6: memref<320000x16xf32, #tpu.memory_space<hbm>>, %arg7: memref<10000xi32, #tpu.memory_space<vmem>>, %arg8: memref<10000xi32, #tpu.memory_space<vmem>>, %arg9: memref<2x512x16xf32, #tpu.memory_space<vmem>>, %arg10: memref<2x512x16xf32, #tpu.memory_space<vmem>>, %arg11: memref<!tpu.dma_semaphore, #tpu.memory_space<semaphore_mem>>, %arg12: memref<!tpu.dma_semaphore, #tpu.memory_space<semaphore_mem>>, %arg13: memref<!tpu.dma_semaphore, #tpu.memory_space<semaphore_mem>>, %arg14: memref<!tpu.dma_semaphore, #tpu.memory_space<semaphore_mem>>, %arg15: memref<!tpu.dma_semaphore, #tpu.memory_space<semaphore_mem>>, %arg16: memref<!tpu.dma_semaphore, #tpu.memory_space<semaphore_mem>>, %arg17: memref<!tpu.dma_semaphore, #tpu.memory_space<semaphore_mem>>, %arg18: memref<!tpu.dma_semaphore, #tpu.memory_space<semaphore_mem>>) attributes {dimension_semantics = [#tpu.dimension_semantics<core_parallel>, #tpu.dimension_semantics<subcore_parallel>], iteration_bounds = array<i64: 2, 16>, scalar_prefetch = 0 : i64, scratch_operands = 12 : i64, tpu.core_type = #tpu.core_type<sc_vector_subcore>, window_params = [{transform_indices = #map}, {transform_indices = #map1}, {transform_indices = #map1}, {transform_indices = #map}, {transform_indices = #map}]} {
    %mul3A = arith.constant 16 : i32
    %mul3A_0 = arith.muli %arg0, %mul3A : i32
    %add3A = arith.addi %mul3A_0, %arg1 : i32
    %mul3A_1 = arith.constant 10000 : i32
    %mul3A_2 = arith.muli %add3A, %mul3A_1 : i32
    "tpu.region"() ({
      %run_scoped3A = tpu.sem_alloc : memref<!tpu.dma_semaphore, #tpu.memory_space<semaphore_mem>>
      %dma_start3A_426 = tpu.memref_slice %arg3[%mul3A_2] : memref<320000xi32, #tpu.memory_space<hbm>> -> memref<10000xi32, #tpu.memory_space<hbm>>
      %dma_start3A_427 = tpu.memref_slice %arg3[%mul3A_2] : memref<320000xi32, #tpu.memory_space<hbm>> -> memref<10000xi32, #tpu.memory_space<hbm>>
      tpu.enqueue_dma source(%dma_start3A_427 : memref<10000xi32, #tpu.memory_space<hbm>>) target(%arg7 : memref<10000xi32, #tpu.memory_space<vmem>>) target_semaphore(%run_scoped3A : memref<!tpu.dma_semaphore, #tpu.memory_space<semaphore_mem>>)
      %dma_wait3A_428 = tpu.memref_slice %arg3[%mul3A_2] : memref<320000xi32, #tpu.memory_space<hbm>> -> memref<10000xi32, #tpu.memory_space<hbm>>
      %dma_wait3A_429 = tpu.memref_slice %arg3[%mul3A_2] : memref<320000xi32, #tpu.memory_space<hbm>> -> memref<10000xi32, #tpu.memory_space<hbm>>
      tpu.wait_dma2 semaphore(%run_scoped3A : memref<!tpu.dma_semaphore, #tpu.memory_space<semaphore_mem>>) src(%dma_wait3A_429 : memref<10000xi32, #tpu.memory_space<hbm>>) dst(%arg7 : memref<10000xi32, #tpu.memory_space<vmem>>)
      tpu.yield
    }) : () -> ()
    "tpu.region"() ({
      %run_scoped3A = tpu.sem_alloc : memref<!tpu.dma_semaphore, #tpu.memory_space<semaphore_mem>>
      %dma_start3A_426 = tpu.memref_slice %arg4[%mul3A_2] : memref<320000xi32, #tpu.memory_space<hbm>> -> memref<10000xi32, #tpu.memory_space<hbm>>
      %dma_start3A_427 = tpu.memref_slice %arg4[%mul3A_2] : memref<320000xi32, #tpu.memory_space<hbm>> -> memref<10000xi32, #tpu.memory_space<hbm>>
      tpu.enqueue_dma source(%dma_start3A_427 : memref<10000xi32, #tpu.memory_space<hbm>>) target(%arg8 : memref<10000xi32, #tpu.memory_space<vmem>>) target_semaphore(%run_scoped3A : memref<!tpu.dma_semaphore, #tpu.memory_space<semaphore_mem>>)
      %dma_wait3A_428 = tpu.memref_slice %arg4[%mul3A_2] : memref<320000xi32, #tpu.memory_space<hbm>> -> memref<10000xi32, #tpu.memory_space<hbm>>
      %dma_wait3A_429 = tpu.memref_slice %arg4[%mul3A_2] : memref<320000xi32, #tpu.memory_space<hbm>> -> memref<10000xi32, #tpu.memory_space<hbm>>
      tpu.wait_dma2 semaphore(%run_scoped3A : memref<!tpu.dma_semaphore, #tpu.memory_space<semaphore_mem>>) src(%dma_wait3A_429 : memref<10000xi32, #tpu.memory_space<hbm>>) dst(%arg8 : memref<10000xi32, #tpu.memory_space<vmem>>)
      tpu.yield
    }) : () -> ()
    %scan3A = arith.constant 0 : i32
    %scan3A_3 = arith.constant 0 : i32
    %scan3A_4 = arith.constant 9 : i32
    %scan3A_5 = arith.addi %scan3A_3, %scan3A_4 : i32
    %scan3A_6 = arith.constant 1 : i32
    scf.for %scan3A_426 = %scan3A_3 to %scan3A_5 step %scan3A_6  : i32 {
      %mul3A_427 = arith.constant 2 : i32
      %mul3A_428 = arith.muli %mul3A_427, %scan3A_426 : i32
      %ge3A = arith.constant 1 : i32
      %ge3A_429 = arith.cmpi sge, %scan3A_426, %ge3A : i32
      %convert_element_type3A = arith.extui %ge3A_429 : i1 to i32
      %cond3A = arith.constant 0 : i32
      %cond3A_430 = arith.cmpi ne, %convert_element_type3A, %cond3A : i32
      scf.if %cond3A_430 {
        %dma_wait3A_661 = arith.constant 0 : i32
        %dma_wait3A_662 = arith.constant 0 : i32
        %dma_wait3A_663 = arith.constant 0 : i32
        %dma_wait3A_664 = tpu.memref_slice %arg9[%dma_wait3A_661, %dma_wait3A_662, %dma_wait3A_663] : memref<2x512x16xf32, #tpu.memory_space<vmem>> -> memref<1x512x16xf32, #tpu.memory_space<vmem>>
        %dma_wait3A_665 = tpu.memref_squeeze %dma_wait3A_664 : memref<1x512x16xf32, #tpu.memory_space<vmem>> -> memref<512x16xf32, #tpu.memory_space<vmem>>
        %dma_wait3A_666 = arith.constant 0 : i32
        %dma_wait3A_667 = tpu.memref_slice %arg5[%mul3A_2, %dma_wait3A_666] : memref<320000x16xf32, #tpu.memory_space<hbm>> -> memref<512x16xf32, #tpu.memory_space<hbm>>
        %dma_wait3A_668 = arith.constant 0 : i32
        %dma_wait3A_669 = tpu.memref_slice %arg5[%mul3A_2, %dma_wait3A_668] : memref<320000x16xf32, #tpu.memory_space<hbm>> -> memref<512x16xf32, #tpu.memory_space<hbm>>
        %dma_wait3A_670 = arith.constant 0 : i32
        %dma_wait3A_671 = arith.constant 0 : i32
        %dma_wait3A_672 = tpu.memref_slice %arg9[%dma_wait3A_661, %dma_wait3A_670, %dma_wait3A_671] : memref<2x512x16xf32, #tpu.memory_space<vmem>> -> memref<1x512x16xf32, #tpu.memory_space<vmem>>
        %dma_wait3A_673 = tpu.memref_squeeze %dma_wait3A_672 : memref<1x512x16xf32, #tpu.memory_space<vmem>> -> memref<512x16xf32, #tpu.memory_space<vmem>>
        tpu.wait_dma2 semaphore(%arg15 : memref<!tpu.dma_semaphore, #tpu.memory_space<semaphore_mem>>) src(%dma_wait3A_673 : memref<512x16xf32, #tpu.memory_space<vmem>>) dst(%dma_wait3A_669 : memref<512x16xf32, #tpu.memory_space<hbm>>)
        %dma_wait3A_674 = arith.constant 0 : i32
        %dma_wait3A_675 = arith.constant 0 : i32
        %dma_wait3A_676 = arith.constant 0 : i32
        %dma_wait3A_677 = tpu.memref_slice %arg10[%dma_wait3A_674, %dma_wait3A_675, %dma_wait3A_676] : memref<2x512x16xf32, #tpu.memory_space<vmem>> -> memref<1x512x16xf32, #tpu.memory_space<vmem>>
        %dma_wait3A_678 = tpu.memref_squeeze %dma_wait3A_677 : memref<1x512x16xf32, #tpu.memory_space<vmem>> -> memref<512x16xf32, #tpu.memory_space<vmem>>
        %dma_wait3A_679 = arith.constant 0 : i32
        %dma_wait3A_680 = tpu.memref_slice %arg6[%mul3A_2, %dma_wait3A_679] : memref<320000x16xf32, #tpu.memory_space<hbm>> -> memref<512x16xf32, #tpu.memory_space<hbm>>
        %dma_wait3A_681 = arith.constant 0 : i32
        %dma_wait3A_682 = tpu.memref_slice %arg6[%mul3A_2, %dma_wait3A_681] : memref<320000x16xf32, #tpu.memory_space<hbm>> -> memref<512x16xf32, #tpu.memory_space<hbm>>
        %dma_wait3A_683 = arith.constant 0 : i32
        %dma_wait3A_684 = arith.constant 0 : i32
        %dma_wait3A_685 = tpu.memref_slice %arg10[%dma_wait3A_674, %dma_wait3A_683, %dma_wait3A_684] : memref<2x512x16xf32, #tpu.memory_space<vmem>> -> memref<1x512x16xf32, #tpu.memory_space<vmem>>
        %dma_wait3A_686 = tpu.memref_squeeze %dma_wait3A_685 : memref<1x512x16xf32, #tpu.memory_space<vmem>> -> memref<512x16xf32, #tpu.memory_space<vmem>>
        tpu.wait_dma2 semaphore(%arg17 : memref<!tpu.dma_semaphore, #tpu.memory_space<semaphore_mem>>) src(%dma_wait3A_686 : memref<512x16xf32, #tpu.memory_space<vmem>>) dst(%dma_wait3A_682 : memref<512x16xf32, #tpu.memory_space<hbm>>)
      } else {
      }
      %mul3A_431 = arith.constant 512 : i32
      %mul3A_432 = arith.muli %mul3A_428, %mul3A_431 : i32
      %add3A_433 = arith.constant 0 : i32
      %add3A_434 = arith.addi %mul3A_432, %add3A_433 : i32
      %dma_start3A_435 = arith.constant 0 : i32
      %dma_start3A_436 = arith.constant 0 : i32
      %dma_start3A_437 = arith.constant 0 : i32
      %dma_start3A_438 = tpu.memref_slice %arg9[%dma_start3A_435, %dma_start3A_436, %dma_start3A_437] : memref<2x512x16xf32, #tpu.memory_space<vmem>> -> memref<1x128x16xf32, #tpu.memory_space<vmem>>
      %dma_start3A_439 = tpu.memref_squeeze %dma_start3A_438 : memref<1x128x16xf32, #tpu.memory_space<vmem>> -> memref<128x16xf32, #tpu.memory_space<vmem>>
      %dma_start3A_440 = tpu.memref_slice %arg7[%add3A_434] : memref<10000xi32, #tpu.memory_space<vmem>> -> memref<128xi32, #tpu.memory_space<vmem>>
      %dma_start3A_441 = arith.constant 0 : i32
      %dma_start3A_442 = arith.constant 0 : i32
      %dma_start3A_443 = tpu.memref_slice %arg2[%dma_start3A_441, %dma_start3A_442] : memref<10000x16xf32, #tpu.memory_space<hbm>> -> memref<10000x16xf32, #tpu.memory_space<hbm>>
      tpu.enqueue_indirect_dma source(%dma_start3A_443 : memref<10000x16xf32, #tpu.memory_space<hbm>>) target(%dma_start3A_439 : memref<128x16xf32, #tpu.memory_space<vmem>>) offsets(%dma_start3A_440 : memref<128xi32, #tpu.memory_space<vmem>>) semaphore(%arg11 : memref<!tpu.dma_semaphore, #tpu.memory_space<semaphore_mem>>)
      %dma_start3A_444 = arith.constant 0 : i32
      %dma_start3A_445 = arith.constant 0 : i32
      %dma_start3A_446 = arith.constant 0 : i32
      %dma_start3A_447 = tpu.memref_slice %arg10[%dma_start3A_444, %dma_start3A_445, %dma_start3A_446] : memref<2x512x16xf32, #tpu.memory_space<vmem>> -> memref<1x128x16xf32, #tpu.memory_space<vmem>>
      %dma_start3A_448 = tpu.memref_squeeze %dma_start3A_447 : memref<1x128x16xf32, #tpu.memory_space<vmem>> -> memref<128x16xf32, #tpu.memory_space<vmem>>
      %dma_start3A_449 = tpu.memref_slice %arg8[%add3A_434] : memref<10000xi32, #tpu.memory_space<vmem>> -> memref<128xi32, #tpu.memory_space<vmem>>
      %dma_start3A_450 = arith.constant 0 : i32
      %dma_start3A_451 = arith.constant 0 : i32
      %dma_start3A_452 = tpu.memref_slice %arg2[%dma_start3A_450, %dma_start3A_451] : memref<10000x16xf32, #tpu.memory_space<hbm>> -> memref<10000x16xf32, #tpu.memory_space<hbm>>
      tpu.enqueue_indirect_dma source(%dma_start3A_452 : memref<10000x16xf32, #tpu.memory_space<hbm>>) target(%dma_start3A_448 : memref<128x16xf32, #tpu.memory_space<vmem>>) offsets(%dma_start3A_449 : memref<128xi32, #tpu.memory_space<vmem>>) semaphore(%arg13 : memref<!tpu.dma_semaphore, #tpu.memory_space<semaphore_mem>>)
      %add3A_453 = arith.constant 128 : i32
      %add3A_454 = arith.addi %mul3A_432, %add3A_453 : i32
      %dma_start3A_455 = arith.constant 0 : i32
      %dma_start3A_456 = arith.constant 128 : i32
      %dma_start3A_457 = arith.constant 0 : i32
      %dma_start3A_458 = tpu.memref_slice %arg9[%dma_start3A_455, %dma_start3A_456, %dma_start3A_457] : memref<2x512x16xf32, #tpu.memory_space<vmem>> -> memref<1x128x16xf32, #tpu.memory_space<vmem>>
      %dma_start3A_459 = tpu.memref_squeeze %dma_start3A_458 : memref<1x128x16xf32, #tpu.memory_space<vmem>> -> memref<128x16xf32, #tpu.memory_space<vmem>>
      %dma_start3A_460 = tpu.memref_slice %arg7[%add3A_454] : memref<10000xi32, #tpu.memory_space<vmem>> -> memref<128xi32, #tpu.memory_space<vmem>>
      %dma_start3A_461 = arith.constant 0 : i32
      %dma_start3A_462 = arith.constant 0 : i32
      %dma_start3A_463 = tpu.memref_slice %arg2[%dma_start3A_461, %dma_start3A_462] : memref<10000x16xf32, #tpu.memory_space<hbm>> -> memref<10000x16xf32, #tpu.memory_space<hbm>>
      tpu.enqueue_indirect_dma source(%dma_start3A_463 : memref<10000x16xf32, #tpu.memory_space<hbm>>) target(%dma_start3A_459 : memref<128x16xf32, #tpu.memory_space<vmem>>) offsets(%dma_start3A_460 : memref<128xi32, #tpu.memory_space<vmem>>) semaphore(%arg11 : memref<!tpu.dma_semaphore, #tpu.memory_space<semaphore_mem>>)
      %dma_start3A_464 = arith.constant 0 : i32
      %dma_start3A_465 = arith.constant 128 : i32
      %dma_start3A_466 = arith.constant 0 : i32
      %dma_start3A_467 = tpu.memref_slice %arg10[%dma_start3A_464, %dma_start3A_465, %dma_start3A_466] : memref<2x512x16xf32, #tpu.memory_space<vmem>> -> memref<1x128x16xf32, #tpu.memory_space<vmem>>
      %dma_start3A_468 = tpu.memref_squeeze %dma_start3A_467 : memref<1x128x16xf32, #tpu.memory_space<vmem>> -> memref<128x16xf32, #tpu.memory_space<vmem>>
      %dma_start3A_469 = tpu.memref_slice %arg8[%add3A_454] : memref<10000xi32, #tpu.memory_space<vmem>> -> memref<128xi32, #tpu.memory_space<vmem>>
      %dma_start3A_470 = arith.constant 0 : i32
      %dma_start3A_471 = arith.constant 0 : i32
      %dma_start3A_472 = tpu.memref_slice %arg2[%dma_start3A_470, %dma_start3A_471] : memref<10000x16xf32, #tpu.memory_space<hbm>> -> memref<10000x16xf32, #tpu.memory_space<hbm>>
      tpu.enqueue_indirect_dma source(%dma_start3A_472 : memref<10000x16xf32, #tpu.memory_space<hbm>>) target(%dma_start3A_468 : memref<128x16xf32, #tpu.memory_space<vmem>>) offsets(%dma_start3A_469 : memref<128xi32, #tpu.memory_space<vmem>>) semaphore(%arg13 : memref<!tpu.dma_semaphore, #tpu.memory_space<semaphore_mem>>)
      %add3A_473 = arith.constant 256 : i32
      %add3A_474 = arith.addi %mul3A_432, %add3A_473 : i32
      %dma_start3A_475 = arith.constant 0 : i32
      %dma_start3A_476 = arith.constant 256 : i32
      %dma_start3A_477 = arith.constant 0 : i32
      %dma_start3A_478 = tpu.memref_slice %arg9[%dma_start3A_475, %dma_start3A_476, %dma_start3A_477] : memref<2x512x16xf32, #tpu.memory_space<vmem>> -> memref<1x128x16xf32, #tpu.memory_space<vmem>>
      %dma_start3A_479 = tpu.memref_squeeze %dma_start3A_478 : memref<1x128x16xf32, #tpu.memory_space<vmem>> -> memref<128x16xf32, #tpu.memory_space<vmem>>
      %dma_start3A_480 = tpu.memref_slice %arg7[%add3A_474] : memref<10000xi32, #tpu.memory_space<vmem>> -> memref<128xi32, #tpu.memory_space<vmem>>
      %dma_start3A_481 = arith.constant 0 : i32
      %dma_start3A_482 = arith.constant 0 : i32
      %dma_start3A_483 = tpu.memref_slice %arg2[%dma_start3A_481, %dma_start3A_482] : memref<10000x16xf32, #tpu.memory_space<hbm>> -> memref<10000x16xf32, #tpu.memory_space<hbm>>
      tpu.enqueue_indirect_dma source(%dma_start3A_483 : memref<10000x16xf32, #tpu.memory_space<hbm>>) target(%dma_start3A_479 : memref<128x16xf32, #tpu.memory_space<vmem>>) offsets(%dma_start3A_480 : memref<128xi32, #tpu.memory_space<vmem>>) semaphore(%arg11 : memref<!tpu.dma_semaphore, #tpu.memory_space<semaphore_mem>>)
      %dma_start3A_484 = arith.constant 0 : i32
      %dma_start3A_485 = arith.constant 256 : i32
      %dma_start3A_486 = arith.constant 0 : i32
      %dma_start3A_487 = tpu.memref_slice %arg10[%dma_start3A_484, %dma_start3A_485, %dma_start3A_486] : memref<2x512x16xf32, #tpu.memory_space<vmem>> -> memref<1x128x16xf32, #tpu.memory_space<vmem>>
      %dma_start3A_488 = tpu.memref_squeeze %dma_start3A_487 : memref<1x128x16xf32, #tpu.memory_space<vmem>> -> memref<128x16xf32, #tpu.memory_space<vmem>>
      %dma_start3A_489 = tpu.memref_slice %arg8[%add3A_474] : memref<10000xi32, #tpu.memory_space<vmem>> -> memref<128xi32, #tpu.memory_space<vmem>>
      %dma_start3A_490 = arith.constant 0 : i32
      %dma_start3A_491 = arith.constant 0 : i32
      %dma_start3A_492 = tpu.memref_slice %arg2[%dma_start3A_490, %dma_start3A_491] : memref<10000x16xf32, #tpu.memory_space<hbm>> -> memref<10000x16xf32, #tpu.memory_space<hbm>>
      tpu.enqueue_indirect_dma source(%dma_start3A_492 : memref<10000x16xf32, #tpu.memory_space<hbm>>) target(%dma_start3A_488 : memref<128x16xf32, #tpu.memory_space<vmem>>) offsets(%dma_start3A_489 : memref<128xi32, #tpu.memory_space<vmem>>) semaphore(%arg13 : memref<!tpu.dma_semaphore, #tpu.memory_space<semaphore_mem>>)
      %add3A_493 = arith.constant 384 : i32
      %add3A_494 = arith.addi %mul3A_432, %add3A_493 : i32
      %dma_start3A_495 = arith.constant 0 : i32
      %dma_start3A_496 = arith.constant 384 : i32
      %dma_start3A_497 = arith.constant 0 : i32
      %dma_start3A_498 = tpu.memref_slice %arg9[%dma_start3A_495, %dma_start3A_496, %dma_start3A_497] : memref<2x512x16xf32, #tpu.memory_space<vmem>> -> memref<1x128x16xf32, #tpu.memory_space<vmem>>
      %dma_start3A_499 = tpu.memref_squeeze %dma_start3A_498 : memref<1x128x16xf32, #tpu.memory_space<vmem>> -> memref<128x16xf32, #tpu.memory_space<vmem>>
      %dma_start3A_500 = tpu.memref_slice %arg7[%add3A_494] : memref<10000xi32, #tpu.memory_space<vmem>> -> memref<128xi32, #tpu.memory_space<vmem>>
      %dma_start3A_501 = arith.constant 0 : i32
      %dma_start3A_502 = arith.constant 0 : i32
      %dma_start3A_503 = tpu.memref_slice %arg2[%dma_start3A_501, %dma_start3A_502] : memref<10000x16xf32, #tpu.memory_space<hbm>> -> memref<10000x16xf32, #tpu.memory_space<hbm>>
      tpu.enqueue_indirect_dma source(%dma_start3A_503 : memref<10000x16xf32, #tpu.memory_space<hbm>>) target(%dma_start3A_499 : memref<128x16xf32, #tpu.memory_space<vmem>>) offsets(%dma_start3A_500 : memref<128xi32, #tpu.memory_space<vmem>>) semaphore(%arg11 : memref<!tpu.dma_semaphore, #tpu.memory_space<semaphore_mem>>)
      %dma_start3A_504 = arith.constant 0 : i32
      %dma_start3A_505 = arith.constant 384 : i32
      %dma_start3A_506 = arith.constant 0 : i32
      %dma_start3A_507 = tpu.memref_slice %arg10[%dma_start3A_504, %dma_start3A_505, %dma_start3A_506] : memref<2x512x16xf32, #tpu.memory_space<vmem>> -> memref<1x128x16xf32, #tpu.memory_space<vmem>>
      %dma_start3A_508 = tpu.memref_squeeze %dma_start3A_507 : memref<1x128x16xf32, #tpu.memory_space<vmem>> -> memref<128x16xf32, #tpu.memory_space<vmem>>
      %dma_start3A_509 = tpu.memref_slice %arg8[%add3A_494] : memref<10000xi32, #tpu.memory_space<vmem>> -> memref<128xi32, #tpu.memory_space<vmem>>
      %dma_start3A_510 = arith.constant 0 : i32
      %dma_start3A_511 = arith.constant 0 : i32
      %dma_start3A_512 = tpu.memref_slice %arg2[%dma_start3A_510, %dma_start3A_511] : memref<10000x16xf32, #tpu.memory_space<hbm>> -> memref<10000x16xf32, #tpu.memory_space<hbm>>
      tpu.enqueue_indirect_dma source(%dma_start3A_512 : memref<10000x16xf32, #tpu.memory_space<hbm>>) target(%dma_start3A_508 : memref<128x16xf32, #tpu.memory_space<vmem>>) offsets(%dma_start3A_509 : memref<128xi32, #tpu.memory_space<vmem>>) semaphore(%arg13 : memref<!tpu.dma_semaphore, #tpu.memory_space<semaphore_mem>>)
      %ge3A_513 = arith.constant 1 : i32
      %ge3A_514 = arith.cmpi sge, %scan3A_426, %ge3A_513 : i32
      %convert_element_type3A_515 = arith.extui %ge3A_514 : i1 to i32
      %cond3A_516 = arith.constant 0 : i32
      %cond3A_517 = arith.cmpi ne, %convert_element_type3A_515, %cond3A_516 : i32
      scf.if %cond3A_517 {
        %dma_wait3A_661 = arith.constant 1 : i32
        %dma_wait3A_662 = arith.constant 0 : i32
        %dma_wait3A_663 = arith.constant 0 : i32
        %dma_wait3A_664 = tpu.memref_slice %arg9[%dma_wait3A_661, %dma_wait3A_662, %dma_wait3A_663] : memref<2x512x16xf32, #tpu.memory_space<vmem>> -> memref<1x512x16xf32, #tpu.memory_space<vmem>>
        %dma_wait3A_665 = tpu.memref_squeeze %dma_wait3A_664 : memref<1x512x16xf32, #tpu.memory_space<vmem>> -> memref<512x16xf32, #tpu.memory_space<vmem>>
        %dma_wait3A_666 = arith.constant 0 : i32
        %dma_wait3A_667 = arith.constant 0 : i32
        %dma_wait3A_668 = tpu.memref_slice %arg2[%dma_wait3A_666, %dma_wait3A_667] : memref<10000x16xf32, #tpu.memory_space<hbm>> -> memref<512x16xf32, #tpu.memory_space<hbm>>
        %dma_wait3A_669 = arith.constant 0 : i32
        %dma_wait3A_670 = arith.constant 0 : i32
        %dma_wait3A_671 = tpu.memref_slice %arg9[%dma_wait3A_661, %dma_wait3A_669, %dma_wait3A_670] : memref<2x512x16xf32, #tpu.memory_space<vmem>> -> memref<1x512x16xf32, #tpu.memory_space<vmem>>
        %dma_wait3A_672 = tpu.memref_squeeze %dma_wait3A_671 : memref<1x512x16xf32, #tpu.memory_space<vmem>> -> memref<512x16xf32, #tpu.memory_space<vmem>>
        %dma_wait3A_673 = arith.constant 0 : i32
        %dma_wait3A_674 = arith.constant 0 : i32
        %dma_wait3A_675 = tpu.memref_slice %arg2[%dma_wait3A_673, %dma_wait3A_674] : memref<10000x16xf32, #tpu.memory_space<hbm>> -> memref<512x16xf32, #tpu.memory_space<hbm>>
        tpu.wait_dma2 semaphore(%arg12 : memref<!tpu.dma_semaphore, #tpu.memory_space<semaphore_mem>>) src(%dma_wait3A_675 : memref<512x16xf32, #tpu.memory_space<hbm>>) dst(%dma_wait3A_672 : memref<512x16xf32, #tpu.memory_space<vmem>>)
        %dma_wait3A_676 = arith.constant 1 : i32
        %dma_wait3A_677 = arith.constant 0 : i32
        %dma_wait3A_678 = arith.constant 0 : i32
        %dma_wait3A_679 = tpu.memref_slice %arg10[%dma_wait3A_676, %dma_wait3A_677, %dma_wait3A_678] : memref<2x512x16xf32, #tpu.memory_space<vmem>> -> memref<1x512x16xf32, #tpu.memory_space<vmem>>
        %dma_wait3A_680 = tpu.memref_squeeze %dma_wait3A_679 : memref<1x512x16xf32, #tpu.memory_space<vmem>> -> memref<512x16xf32, #tpu.memory_space<vmem>>
        %dma_wait3A_681 = arith.constant 0 : i32
        %dma_wait3A_682 = arith.constant 0 : i32
        %dma_wait3A_683 = tpu.memref_slice %arg2[%dma_wait3A_681, %dma_wait3A_682] : memref<10000x16xf32, #tpu.memory_space<hbm>> -> memref<512x16xf32, #tpu.memory_space<hbm>>
        %dma_wait3A_684 = arith.constant 0 : i32
        %dma_wait3A_685 = arith.constant 0 : i32
        %dma_wait3A_686 = tpu.memref_slice %arg10[%dma_wait3A_676, %dma_wait3A_684, %dma_wait3A_685] : memref<2x512x16xf32, #tpu.memory_space<vmem>> -> memref<1x512x16xf32, #tpu.memory_space<vmem>>
        %dma_wait3A_687 = tpu.memref_squeeze %dma_wait3A_686 : memref<1x512x16xf32, #tpu.memory_space<vmem>> -> memref<512x16xf32, #tpu.memory_space<vmem>>
        %dma_wait3A_688 = arith.constant 0 : i32
        %dma_wait3A_689 = arith.constant 0 : i32
        %dma_wait3A_690 = tpu.memref_slice %arg2[%dma_wait3A_688, %dma_wait3A_689] : memref<10000x16xf32, #tpu.memory_space<hbm>> -> memref<512x16xf32, #tpu.memory_space<hbm>>
        tpu.wait_dma2 semaphore(%arg14 : memref<!tpu.dma_semaphore, #tpu.memory_space<semaphore_mem>>) src(%dma_wait3A_690 : memref<512x16xf32, #tpu.memory_space<hbm>>) dst(%dma_wait3A_687 : memref<512x16xf32, #tpu.memory_space<vmem>>)
        %sub3A = arith.constant 1 : i32
        %sub3A_691 = arith.subi %mul3A_428, %sub3A : i32
        %mul3A_692 = arith.constant 512 : i32
        %mul3A_693 = arith.muli %sub3A_691, %mul3A_692 : i32
        %add3A_694 = arith.addi %mul3A_2, %mul3A_693 : i32
        %dma_start3A_695 = arith.constant 1 : i32
        %dma_start3A_696 = arith.constant 0 : i32
        %dma_start3A_697 = arith.constant 0 : i32
        %dma_start3A_698 = tpu.memref_slice %arg9[%dma_start3A_695, %dma_start3A_696, %dma_start3A_697] : memref<2x512x16xf32, #tpu.memory_space<vmem>> -> memref<1x512x16xf32, #tpu.memory_space<vmem>>
        %dma_start3A_699 = tpu.memref_squeeze %dma_start3A_698 : memref<1x512x16xf32, #tpu.memory_space<vmem>> -> memref<512x16xf32, #tpu.memory_space<vmem>>
        %dma_start3A_700 = arith.constant 0 : i32
        %dma_start3A_701 = tpu.memref_slice %arg5[%add3A_694, %dma_start3A_700] : memref<320000x16xf32, #tpu.memory_space<hbm>> -> memref<512x16xf32, #tpu.memory_space<hbm>>
        %dma_start3A_702 = arith.constant 0 : i32
        %dma_start3A_703 = tpu.memref_slice %arg5[%add3A_694, %dma_start3A_702] : memref<320000x16xf32, #tpu.memory_space<hbm>> -> memref<512x16xf32, #tpu.memory_space<hbm>>
        %dma_start3A_704 = arith.constant 0 : i32
        %dma_start3A_705 = arith.constant 0 : i32
        %dma_start3A_706 = tpu.memref_slice %arg9[%dma_start3A_695, %dma_start3A_704, %dma_start3A_705] : memref<2x512x16xf32, #tpu.memory_space<vmem>> -> memref<1x512x16xf32, #tpu.memory_space<vmem>>
        %dma_start3A_707 = tpu.memref_squeeze %dma_start3A_706 : memref<1x512x16xf32, #tpu.memory_space<vmem>> -> memref<512x16xf32, #tpu.memory_space<vmem>>
        tpu.enqueue_dma source(%dma_start3A_707 : memref<512x16xf32, #tpu.memory_space<vmem>>) target(%dma_start3A_703 : memref<512x16xf32, #tpu.memory_space<hbm>>) target_semaphore(%arg16 : memref<!tpu.dma_semaphore, #tpu.memory_space<semaphore_mem>>)
        %dma_start3A_708 = arith.constant 1 : i32
        %dma_start3A_709 = arith.constant 0 : i32
        %dma_start3A_710 = arith.constant 0 : i32
        %dma_start3A_711 = tpu.memref_slice %arg10[%dma_start3A_708, %dma_start3A_709, %dma_start3A_710] : memref<2x512x16xf32, #tpu.memory_space<vmem>> -> memref<1x512x16xf32, #tpu.memory_space<vmem>>
        %dma_start3A_712 = tpu.memref_squeeze %dma_start3A_711 : memref<1x512x16xf32, #tpu.memory_space<vmem>> -> memref<512x16xf32, #tpu.memory_space<vmem>>
        %dma_start3A_713 = arith.constant 0 : i32
        %dma_start3A_714 = tpu.memref_slice %arg6[%add3A_694, %dma_start3A_713] : memref<320000x16xf32, #tpu.memory_space<hbm>> -> memref<512x16xf32, #tpu.memory_space<hbm>>
        %dma_start3A_715 = arith.constant 0 : i32
        %dma_start3A_716 = tpu.memref_slice %arg6[%add3A_694, %dma_start3A_715] : memref<320000x16xf32, #tpu.memory_space<hbm>> -> memref<512x16xf32, #tpu.memory_space<hbm>>
        %dma_start3A_717 = arith.constant 0 : i32
        %dma_start3A_718 = arith.constant 0 : i32
        %dma_start3A_719 = tpu.memref_slice %arg10[%dma_start3A_708, %dma_start3A_717, %dma_start3A_718] : memref<2x512x16xf32, #tpu.memory_space<vmem>> -> memref<1x512x16xf32, #tpu.memory_space<vmem>>
        %dma_start3A_720 = tpu.memref_squeeze %dma_start3A_719 : memref<1x512x16xf32, #tpu.memory_space<vmem>> -> memref<512x16xf32, #tpu.memory_space<vmem>>
        tpu.enqueue_dma source(%dma_start3A_720 : memref<512x16xf32, #tpu.memory_space<vmem>>) target(%dma_start3A_716 : memref<512x16xf32, #tpu.memory_space<hbm>>) target_semaphore(%arg18 : memref<!tpu.dma_semaphore, #tpu.memory_space<semaphore_mem>>)
        %dma_wait3A_721 = arith.constant 1 : i32
        %dma_wait3A_722 = arith.constant 0 : i32
        %dma_wait3A_723 = arith.constant 0 : i32
        %dma_wait3A_724 = tpu.memref_slice %arg9[%dma_wait3A_721, %dma_wait3A_722, %dma_wait3A_723] : memref<2x512x16xf32, #tpu.memory_space<vmem>> -> memref<1x512x16xf32, #tpu.memory_space<vmem>>
        %dma_wait3A_725 = tpu.memref_squeeze %dma_wait3A_724 : memref<1x512x16xf32, #tpu.memory_space<vmem>> -> memref<512x16xf32, #tpu.memory_space<vmem>>
        %dma_wait3A_726 = arith.constant 0 : i32
        %dma_wait3A_727 = tpu.memref_slice %arg5[%mul3A_2, %dma_wait3A_726] : memref<320000x16xf32, #tpu.memory_space<hbm>> -> memref<512x16xf32, #tpu.memory_space<hbm>>
        %dma_wait3A_728 = arith.constant 0 : i32
        %dma_wait3A_729 = tpu.memref_slice %arg5[%mul3A_2, %dma_wait3A_728] : memref<320000x16xf32, #tpu.memory_space<hbm>> -> memref<512x16xf32, #tpu.memory_space<hbm>>
        %dma_wait3A_730 = arith.constant 0 : i32
        %dma_wait3A_731 = arith.constant 0 : i32
        %dma_wait3A_732 = tpu.memref_slice %arg9[%dma_wait3A_721, %dma_wait3A_730, %dma_wait3A_731] : memref<2x512x16xf32, #tpu.memory_space<vmem>> -> memref<1x512x16xf32, #tpu.memory_space<vmem>>
        %dma_wait3A_733 = tpu.memref_squeeze %dma_wait3A_732 : memref<1x512x16xf32, #tpu.memory_space<vmem>> -> memref<512x16xf32, #tpu.memory_space<vmem>>
        tpu.wait_dma2 semaphore(%arg16 : memref<!tpu.dma_semaphore, #tpu.memory_space<semaphore_mem>>) src(%dma_wait3A_733 : memref<512x16xf32, #tpu.memory_space<vmem>>) dst(%dma_wait3A_729 : memref<512x16xf32, #tpu.memory_space<hbm>>)
        %dma_wait3A_734 = arith.constant 1 : i32
        %dma_wait3A_735 = arith.constant 0 : i32
        %dma_wait3A_736 = arith.constant 0 : i32
        %dma_wait3A_737 = tpu.memref_slice %arg10[%dma_wait3A_734, %dma_wait3A_735, %dma_wait3A_736] : memref<2x512x16xf32, #tpu.memory_space<vmem>> -> memref<1x512x16xf32, #tpu.memory_space<vmem>>
        %dma_wait3A_738 = tpu.memref_squeeze %dma_wait3A_737 : memref<1x512x16xf32, #tpu.memory_space<vmem>> -> memref<512x16xf32, #tpu.memory_space<vmem>>
        %dma_wait3A_739 = arith.constant 0 : i32
        %dma_wait3A_740 = tpu.memref_slice %arg6[%mul3A_2, %dma_wait3A_739] : memref<320000x16xf32, #tpu.memory_space<hbm>> -> memref<512x16xf32, #tpu.memory_space<hbm>>
        %dma_wait3A_741 = arith.constant 0 : i32
        %dma_wait3A_742 = tpu.memref_slice %arg6[%mul3A_2, %dma_wait3A_741] : memref<320000x16xf32, #tpu.memory_space<hbm>> -> memref<512x16xf32, #tpu.memory_space<hbm>>
        %dma_wait3A_743 = arith.constant 0 : i32
        %dma_wait3A_744 = arith.constant 0 : i32
        %dma_wait3A_745 = tpu.memref_slice %arg10[%dma_wait3A_734, %dma_wait3A_743, %dma_wait3A_744] : memref<2x512x16xf32, #tpu.memory_space<vmem>> -> memref<1x512x16xf32, #tpu.memory_space<vmem>>
        %dma_wait3A_746 = tpu.memref_squeeze %dma_wait3A_745 : memref<1x512x16xf32, #tpu.memory_space<vmem>> -> memref<512x16xf32, #tpu.memory_space<vmem>>
        tpu.wait_dma2 semaphore(%arg18 : memref<!tpu.dma_semaphore, #tpu.memory_space<semaphore_mem>>) src(%dma_wait3A_746 : memref<512x16xf32, #tpu.memory_space<vmem>>) dst(%dma_wait3A_742 : memref<512x16xf32, #tpu.memory_space<hbm>>)
      } else {
      }
      %add3A_518 = arith.constant 1 : i32
      %add3A_519 = arith.addi %mul3A_428, %add3A_518 : i32
      %mul3A_520 = arith.constant 512 : i32
      %mul3A_521 = arith.muli %add3A_519, %mul3A_520 : i32
      %add3A_522 = arith.constant 0 : i32
      %add3A_523 = arith.addi %mul3A_521, %add3A_522 : i32
      %dma_start3A_524 = arith.constant 1 : i32
      %dma_start3A_525 = arith.constant 0 : i32
      %dma_start3A_526 = arith.constant 0 : i32
      %dma_start3A_527 = tpu.memref_slice %arg9[%dma_start3A_524, %dma_start3A_525, %dma_start3A_526] : memref<2x512x16xf32, #tpu.memory_space<vmem>> -> memref<1x128x16xf32, #tpu.memory_space<vmem>>
      %dma_start3A_528 = tpu.memref_squeeze %dma_start3A_527 : memref<1x128x16xf32, #tpu.memory_space<vmem>> -> memref<128x16xf32, #tpu.memory_space<vmem>>
      %dma_start3A_529 = tpu.memref_slice %arg7[%add3A_523] : memref<10000xi32, #tpu.memory_space<vmem>> -> memref<128xi32, #tpu.memory_space<vmem>>
      %dma_start3A_530 = arith.constant 0 : i32
      %dma_start3A_531 = arith.constant 0 : i32
      %dma_start3A_532 = tpu.memref_slice %arg2[%dma_start3A_530, %dma_start3A_531] : memref<10000x16xf32, #tpu.memory_space<hbm>> -> memref<10000x16xf32, #tpu.memory_space<hbm>>
      tpu.enqueue_indirect_dma source(%dma_start3A_532 : memref<10000x16xf32, #tpu.memory_space<hbm>>) target(%dma_start3A_528 : memref<128x16xf32, #tpu.memory_space<vmem>>) offsets(%dma_start3A_529 : memref<128xi32, #tpu.memory_space<vmem>>) semaphore(%arg12 : memref<!tpu.dma_semaphore, #tpu.memory_space<semaphore_mem>>)
      %dma_start3A_533 = arith.constant 1 : i32
      %dma_start3A_534 = arith.constant 0 : i32
      %dma_start3A_535 = arith.constant 0 : i32
      %dma_start3A_536 = tpu.memref_slice %arg10[%dma_start3A_533, %dma_start3A_534, %dma_start3A_535] : memref<2x512x16xf32, #tpu.memory_space<vmem>> -> memref<1x128x16xf32, #tpu.memory_space<vmem>>
      %dma_start3A_537 = tpu.memref_squeeze %dma_start3A_536 : memref<1x128x16xf32, #tpu.memory_space<vmem>> -> memref<128x16xf32, #tpu.memory_space<vmem>>
      %dma_start3A_538 = tpu.memref_slice %arg8[%add3A_523] : memref<10000xi32, #tpu.memory_space<vmem>> -> memref<128xi32, #tpu.memory_space<vmem>>
      %dma_start3A_539 = arith.constant 0 : i32
      %dma_start3A_540 = arith.constant 0 : i32
      %dma_start3A_541 = tpu.memref_slice %arg2[%dma_start3A_539, %dma_start3A_540] : memref<10000x16xf32, #tpu.memory_space<hbm>> -> memref<10000x16xf32, #tpu.memory_space<hbm>>
      tpu.enqueue_indirect_dma source(%dma_start3A_541 : memref<10000x16xf32, #tpu.memory_space<hbm>>) target(%dma_start3A_537 : memref<128x16xf32, #tpu.memory_space<vmem>>) offsets(%dma_start3A_538 : memref<128xi32, #tpu.memory_space<vmem>>) semaphore(%arg14 : memref<!tpu.dma_semaphore, #tpu.memory_space<semaphore_mem>>)
      %add3A_542 = arith.constant 128 : i32
      %add3A_543 = arith.addi %mul3A_521, %add3A_542 : i32
      %dma_start3A_544 = arith.constant 1 : i32
      %dma_start3A_545 = arith.constant 128 : i32
      %dma_start3A_546 = arith.constant 0 : i32
      %dma_start3A_547 = tpu.memref_slice %arg9[%dma_start3A_544, %dma_start3A_545, %dma_start3A_546] : memref<2x512x16xf32, #tpu.memory_space<vmem>> -> memref<1x128x16xf32, #tpu.memory_space<vmem>>
      %dma_start3A_548 = tpu.memref_squeeze %dma_start3A_547 : memref<1x128x16xf32, #tpu.memory_space<vmem>> -> memref<128x16xf32, #tpu.memory_space<vmem>>
      %dma_start3A_549 = tpu.memref_slice %arg7[%add3A_543] : memref<10000xi32, #tpu.memory_space<vmem>> -> memref<128xi32, #tpu.memory_space<vmem>>
      %dma_start3A_550 = arith.constant 0 : i32
      %dma_start3A_551 = arith.constant 0 : i32
      %dma_start3A_552 = tpu.memref_slice %arg2[%dma_start3A_550, %dma_start3A_551] : memref<10000x16xf32, #tpu.memory_space<hbm>> -> memref<10000x16xf32, #tpu.memory_space<hbm>>
      tpu.enqueue_indirect_dma source(%dma_start3A_552 : memref<10000x16xf32, #tpu.memory_space<hbm>>) target(%dma_start3A_548 : memref<128x16xf32, #tpu.memory_space<vmem>>) offsets(%dma_start3A_549 : memref<128xi32, #tpu.memory_space<vmem>>) semaphore(%arg12 : memref<!tpu.dma_semaphore, #tpu.memory_space<semaphore_mem>>)
      %dma_start3A_553 = arith.constant 1 : i32
      %dma_start3A_554 = arith.constant 128 : i32
      %dma_start3A_555 = arith.constant 0 : i32
      %dma_start3A_556 = tpu.memref_slice %arg10[%dma_start3A_553, %dma_start3A_554, %dma_start3A_555] : memref<2x512x16xf32, #tpu.memory_space<vmem>> -> memref<1x128x16xf32, #tpu.memory_space<vmem>>
      %dma_start3A_557 = tpu.memref_squeeze %dma_start3A_556 : memref<1x128x16xf32, #tpu.memory_space<vmem>> -> memref<128x16xf32, #tpu.memory_space<vmem>>
      %dma_start3A_558 = tpu.memref_slice %arg8[%add3A_543] : memref<10000xi32, #tpu.memory_space<vmem>> -> memref<128xi32, #tpu.memory_space<vmem>>
      %dma_start3A_559 = arith.constant 0 : i32
      %dma_start3A_560 = arith.constant 0 : i32
      %dma_start3A_561 = tpu.memref_slice %arg2[%dma_start3A_559, %dma_start3A_560] : memref<10000x16xf32, #tpu.memory_space<hbm>> -> memref<10000x16xf32, #tpu.memory_space<hbm>>
      tpu.enqueue_indirect_dma source(%dma_start3A_561 : memref<10000x16xf32, #tpu.memory_space<hbm>>) target(%dma_start3A_557 : memref<128x16xf32, #tpu.memory_space<vmem>>) offsets(%dma_start3A_558 : memref<128xi32, #tpu.memory_space<vmem>>) semaphore(%arg14 : memref<!tpu.dma_semaphore, #tpu.memory_space<semaphore_mem>>)
      %add3A_562 = arith.constant 256 : i32
      %add3A_563 = arith.addi %mul3A_521, %add3A_562 : i32
      %dma_start3A_564 = arith.constant 1 : i32
      %dma_start3A_565 = arith.constant 256 : i32
      %dma_start3A_566 = arith.constant 0 : i32
      %dma_start3A_567 = tpu.memref_slice %arg9[%dma_start3A_564, %dma_start3A_565, %dma_start3A_566] : memref<2x512x16xf32, #tpu.memory_space<vmem>> -> memref<1x128x16xf32, #tpu.memory_space<vmem>>
      %dma_start3A_568 = tpu.memref_squeeze %dma_start3A_567 : memref<1x128x16xf32, #tpu.memory_space<vmem>> -> memref<128x16xf32, #tpu.memory_space<vmem>>
      %dma_start3A_569 = tpu.memref_slice %arg7[%add3A_563] : memref<10000xi32, #tpu.memory_space<vmem>> -> memref<128xi32, #tpu.memory_space<vmem>>
      %dma_start3A_570 = arith.constant 0 : i32
      %dma_start3A_571 = arith.constant 0 : i32
      %dma_start3A_572 = tpu.memref_slice %arg2[%dma_start3A_570, %dma_start3A_571] : memref<10000x16xf32, #tpu.memory_space<hbm>> -> memref<10000x16xf32, #tpu.memory_space<hbm>>
      tpu.enqueue_indirect_dma source(%dma_start3A_572 : memref<10000x16xf32, #tpu.memory_space<hbm>>) target(%dma_start3A_568 : memref<128x16xf32, #tpu.memory_space<vmem>>) offsets(%dma_start3A_569 : memref<128xi32, #tpu.memory_space<vmem>>) semaphore(%arg12 : memref<!tpu.dma_semaphore, #tpu.memory_space<semaphore_mem>>)
      %dma_start3A_573 = arith.constant 1 : i32
      %dma_start3A_574 = arith.constant 256 : i32
      %dma_start3A_575 = arith.constant 0 : i32
      %dma_start3A_576 = tpu.memref_slice %arg10[%dma_start3A_573, %dma_start3A_574, %dma_start3A_575] : memref<2x512x16xf32, #tpu.memory_space<vmem>> -> memref<1x128x16xf32, #tpu.memory_space<vmem>>
      %dma_start3A_577 = tpu.memref_squeeze %dma_start3A_576 : memref<1x128x16xf32, #tpu.memory_space<vmem>> -> memref<128x16xf32, #tpu.memory_space<vmem>>
      %dma_start3A_578 = tpu.memref_slice %arg8[%add3A_563] : memref<10000xi32, #tpu.memory_space<vmem>> -> memref<128xi32, #tpu.memory_space<vmem>>
      %dma_start3A_579 = arith.constant 0 : i32
      %dma_start3A_580 = arith.constant 0 : i32
      %dma_start3A_581 = tpu.memref_slice %arg2[%dma_start3A_579, %dma_start3A_580] : memref<10000x16xf32, #tpu.memory_space<hbm>> -> memref<10000x16xf32, #tpu.memory_space<hbm>>
      tpu.enqueue_indirect_dma source(%dma_start3A_581 : memref<10000x16xf32, #tpu.memory_space<hbm>>) target(%dma_start3A_577 : memref<128x16xf32, #tpu.memory_space<vmem>>) offsets(%dma_start3A_578 : memref<128xi32, #tpu.memory_space<vmem>>) semaphore(%arg14 : memref<!tpu.dma_semaphore, #tpu.memory_space<semaphore_mem>>)
      %add3A_582 = arith.constant 384 : i32
      %add3A_583 = arith.addi %mul3A_521, %add3A_582 : i32
      %dma_start3A_584 = arith.constant 1 : i32
      %dma_start3A_585 = arith.constant 384 : i32
      %dma_start3A_586 = arith.constant 0 : i32
      %dma_start3A_587 = tpu.memref_slice %arg9[%dma_start3A_584, %dma_start3A_585, %dma_start3A_586] : memref<2x512x16xf32, #tpu.memory_space<vmem>> -> memref<1x128x16xf32, #tpu.memory_space<vmem>>
      %dma_start3A_588 = tpu.memref_squeeze %dma_start3A_587 : memref<1x128x16xf32, #tpu.memory_space<vmem>> -> memref<128x16xf32, #tpu.memory_space<vmem>>
      %dma_start3A_589 = tpu.memref_slice %arg7[%add3A_583] : memref<10000xi32, #tpu.memory_space<vmem>> -> memref<128xi32, #tpu.memory_space<vmem>>
      %dma_start3A_590 = arith.constant 0 : i32
      %dma_start3A_591 = arith.constant 0 : i32
      %dma_start3A_592 = tpu.memref_slice %arg2[%dma_start3A_590, %dma_start3A_591] : memref<10000x16xf32, #tpu.memory_space<hbm>> -> memref<10000x16xf32, #tpu.memory_space<hbm>>
      tpu.enqueue_indirect_dma source(%dma_start3A_592 : memref<10000x16xf32, #tpu.memory_space<hbm>>) target(%dma_start3A_588 : memref<128x16xf32, #tpu.memory_space<vmem>>) offsets(%dma_start3A_589 : memref<128xi32, #tpu.memory_space<vmem>>) semaphore(%arg12 : memref<!tpu.dma_semaphore, #tpu.memory_space<semaphore_mem>>)
      %dma_start3A_593 = arith.constant 1 : i32
      %dma_start3A_594 = arith.constant 384 : i32
      %dma_start3A_595 = arith.constant 0 : i32
      %dma_start3A_596 = tpu.memref_slice %arg10[%dma_start3A_593, %dma_start3A_594, %dma_start3A_595] : memref<2x512x16xf32, #tpu.memory_space<vmem>> -> memref<1x128x16xf32, #tpu.memory_space<vmem>>
      %dma_start3A_597 = tpu.memref_squeeze %dma_start3A_596 : memref<1x128x16xf32, #tpu.memory_space<vmem>> -> memref<128x16xf32, #tpu.memory_space<vmem>>
      %dma_start3A_598 = tpu.memref_slice %arg8[%add3A_583] : memref<10000xi32, #tpu.memory_space<vmem>> -> memref<128xi32, #tpu.memory_space<vmem>>
      %dma_start3A_599 = arith.constant 0 : i32
      %dma_start3A_600 = arith.constant 0 : i32
      %dma_start3A_601 = tpu.memref_slice %arg2[%dma_start3A_599, %dma_start3A_600] : memref<10000x16xf32, #tpu.memory_space<hbm>> -> memref<10000x16xf32, #tpu.memory_space<hbm>>
      tpu.enqueue_indirect_dma source(%dma_start3A_601 : memref<10000x16xf32, #tpu.memory_space<hbm>>) target(%dma_start3A_597 : memref<128x16xf32, #tpu.memory_space<vmem>>) offsets(%dma_start3A_598 : memref<128xi32, #tpu.memory_space<vmem>>) semaphore(%arg14 : memref<!tpu.dma_semaphore, #tpu.memory_space<semaphore_mem>>)
      %dma_wait3A_602 = arith.constant 0 : i32
      %dma_wait3A_603 = arith.constant 0 : i32
      %dma_wait3A_604 = arith.constant 0 : i32
      %dma_wait3A_605 = tpu.memref_slice %arg9[%dma_wait3A_602, %dma_wait3A_603, %dma_wait3A_604] : memref<2x512x16xf32, #tpu.memory_space<vmem>> -> memref<1x512x16xf32, #tpu.memory_space<vmem>>
      %dma_wait3A_606 = tpu.memref_squeeze %dma_wait3A_605 : memref<1x512x16xf32, #tpu.memory_space<vmem>> -> memref<512x16xf32, #tpu.memory_space<vmem>>
      %dma_wait3A_607 = arith.constant 0 : i32
      %dma_wait3A_608 = arith.constant 0 : i32
      %dma_wait3A_609 = tpu.memref_slice %arg2[%dma_wait3A_607, %dma_wait3A_608] : memref<10000x16xf32, #tpu.memory_space<hbm>> -> memref<512x16xf32, #tpu.memory_space<hbm>>
      %dma_wait3A_610 = arith.constant 0 : i32
      %dma_wait3A_611 = arith.constant 0 : i32
      %dma_wait3A_612 = tpu.memref_slice %arg9[%dma_wait3A_602, %dma_wait3A_610, %dma_wait3A_611] : memref<2x512x16xf32, #tpu.memory_space<vmem>> -> memref<1x512x16xf32, #tpu.memory_space<vmem>>
      %dma_wait3A_613 = tpu.memref_squeeze %dma_wait3A_612 : memref<1x512x16xf32, #tpu.memory_space<vmem>> -> memref<512x16xf32, #tpu.memory_space<vmem>>
      %dma_wait3A_614 = arith.constant 0 : i32
      %dma_wait3A_615 = arith.constant 0 : i32
      %dma_wait3A_616 = tpu.memref_slice %arg2[%dma_wait3A_614, %dma_wait3A_615] : memref<10000x16xf32, #tpu.memory_space<hbm>> -> memref<512x16xf32, #tpu.memory_space<hbm>>
      tpu.wait_dma2 semaphore(%arg11 : memref<!tpu.dma_semaphore, #tpu.memory_space<semaphore_mem>>) src(%dma_wait3A_616 : memref<512x16xf32, #tpu.memory_space<hbm>>) dst(%dma_wait3A_613 : memref<512x16xf32, #tpu.memory_space<vmem>>)
      %dma_wait3A_617 = arith.constant 0 : i32
      %dma_wait3A_618 = arith.constant 0 : i32
      %dma_wait3A_619 = arith.constant 0 : i32
      %dma_wait3A_620 = tpu.memref_slice %arg10[%dma_wait3A_617, %dma_wait3A_618, %dma_wait3A_619] : memref<2x512x16xf32, #tpu.memory_space<vmem>> -> memref<1x512x16xf32, #tpu.memory_space<vmem>>
      %dma_wait3A_621 = tpu.memref_squeeze %dma_wait3A_620 : memref<1x512x16xf32, #tpu.memory_space<vmem>> -> memref<512x16xf32, #tpu.memory_space<vmem>>
      %dma_wait3A_622 = arith.constant 0 : i32
      %dma_wait3A_623 = arith.constant 0 : i32
      %dma_wait3A_624 = tpu.memref_slice %arg2[%dma_wait3A_622, %dma_wait3A_623] : memref<10000x16xf32, #tpu.memory_space<hbm>> -> memref<512x16xf32, #tpu.memory_space<hbm>>
      %dma_wait3A_625 = arith.constant 0 : i32
      %dma_wait3A_626 = arith.constant 0 : i32
      %dma_wait3A_627 = tpu.memref_slice %arg10[%dma_wait3A_617, %dma_wait3A_625, %dma_wait3A_626] : memref<2x512x16xf32, #tpu.memory_space<vmem>> -> memref<1x512x16xf32, #tpu.memory_space<vmem>>
      %dma_wait3A_628 = tpu.memref_squeeze %dma_wait3A_627 : memref<1x512x16xf32, #tpu.memory_space<vmem>> -> memref<512x16xf32, #tpu.memory_space<vmem>>
      %dma_wait3A_629 = arith.constant 0 : i32
      %dma_wait3A_630 = arith.constant 0 : i32
      %dma_wait3A_631 = tpu.memref_slice %arg2[%dma_wait3A_629, %dma_wait3A_630] : memref<10000x16xf32, #tpu.memory_space<hbm>> -> memref<512x16xf32, #tpu.memory_space<hbm>>
      tpu.wait_dma2 semaphore(%arg13 : memref<!tpu.dma_semaphore, #tpu.memory_space<semaphore_mem>>) src(%dma_wait3A_631 : memref<512x16xf32, #tpu.memory_space<hbm>>) dst(%dma_wait3A_628 : memref<512x16xf32, #tpu.memory_space<vmem>>)
      %mul3A_632 = arith.constant 512 : i32
      %mul3A_633 = arith.muli %mul3A_428, %mul3A_632 : i32
      %add3A_634 = arith.addi %mul3A_2, %mul3A_633 : i32
      %dma_start3A_635 = arith.constant 0 : i32
      %dma_start3A_636 = arith.constant 0 : i32
      %dma_start3A_637 = arith.constant 0 : i32
      %dma_start3A_638 = tpu.memref_slice %arg9[%dma_start3A_635, %dma_start3A_636, %dma_start3A_637] : memref<2x512x16xf32, #tpu.memory_space<vmem>> -> memref<1x512x16xf32, #tpu.memory_space<vmem>>
      %dma_start3A_639 = tpu.memref_squeeze %dma_start3A_638 : memref<1x512x16xf32, #tpu.memory_space<vmem>> -> memref<512x16xf32, #tpu.memory_space<vmem>>
      %dma_start3A_640 = arith.constant 0 : i32
      %dma_start3A_641 = tpu.memref_slice %arg5[%add3A_634, %dma_start3A_640] : memref<320000x16xf32, #tpu.memory_space<hbm>> -> memref<512x16xf32, #tpu.memory_space<hbm>>
      %dma_start3A_642 = arith.constant 0 : i32
      %dma_start3A_643 = tpu.memref_slice %arg5[%add3A_634, %dma_start3A_642] : memref<320000x16xf32, #tpu.memory_space<hbm>> -> memref<512x16xf32, #tpu.memory_space<hbm>>
      %dma_start3A_644 = arith.constant 0 : i32
      %dma_start3A_645 = arith.constant 0 : i32
      %dma_start3A_646 = tpu.memref_slice %arg9[%dma_start3A_635, %dma_start3A_644, %dma_start3A_645] : memref<2x512x16xf32, #tpu.memory_space<vmem>> -> memref<1x512x16xf32, #tpu.memory_space<vmem>>
      %dma_start3A_647 = tpu.memref_squeeze %dma_start3A_646 : memref<1x512x16xf32, #tpu.memory_space<vmem>> -> memref<512x16xf32, #tpu.memory_space<vmem>>
      tpu.enqueue_dma source(%dma_start3A_647 : memref<512x16xf32, #tpu.memory_space<vmem>>) target(%dma_start3A_643 : memref<512x16xf32, #tpu.memory_space<hbm>>) target_semaphore(%arg15 : memref<!tpu.dma_semaphore, #tpu.memory_space<semaphore_mem>>)
      %dma_start3A_648 = arith.constant 0 : i32
      %dma_start3A_649 = arith.constant 0 : i32
      %dma_start3A_650 = arith.constant 0 : i32
      %dma_start3A_651 = tpu.memref_slice %arg10[%dma_start3A_648, %dma_start3A_649, %dma_start3A_650] : memref<2x512x16xf32, #tpu.memory_space<vmem>> -> memref<1x512x16xf32, #tpu.memory_space<vmem>>
      %dma_start3A_652 = tpu.memref_squeeze %dma_start3A_651 : memref<1x512x16xf32, #tpu.memory_space<vmem>> -> memref<512x16xf32, #tpu.memory_space<vmem>>
      %dma_start3A_653 = arith.constant 0 : i32
      %dma_start3A_654 = tpu.memref_slice %arg6[%add3A_634, %dma_start3A_653] : memref<320000x16xf32, #tpu.memory_space<hbm>> -> memref<512x16xf32, #tpu.memory_space<hbm>>
      %dma_start3A_655 = arith.constant 0 : i32
      %dma_start3A_656 = tpu.memref_slice %arg6[%add3A_634, %dma_start3A_655] : memref<320000x16xf32, #tpu.memory_space<hbm>> -> memref<512x16xf32, #tpu.memory_space<hbm>>
      %dma_start3A_657 = arith.constant 0 : i32
      %dma_start3A_658 = arith.constant 0 : i32
      %dma_start3A_659 = tpu.memref_slice %arg10[%dma_start3A_648, %dma_start3A_657, %dma_start3A_658] : memref<2x512x16xf32, #tpu.memory_space<vmem>> -> memref<1x512x16xf32, #tpu.memory_space<vmem>>
      %dma_start3A_660 = tpu.memref_squeeze %dma_start3A_659 : memref<1x512x16xf32, #tpu.memory_space<vmem>> -> memref<512x16xf32, #tpu.memory_space<vmem>>
      tpu.enqueue_dma source(%dma_start3A_660 : memref<512x16xf32, #tpu.memory_space<vmem>>) target(%dma_start3A_656 : memref<512x16xf32, #tpu.memory_space<hbm>>) target_semaphore(%arg17 : memref<!tpu.dma_semaphore, #tpu.memory_space<semaphore_mem>>)
    }
    %scan3A_7 = arith.constant 9 : i32
    %dma_wait3A = arith.constant 0 : i32
    %dma_wait3A_8 = arith.constant 0 : i32
    %dma_wait3A_9 = arith.constant 0 : i32
    %dma_wait3A_10 = tpu.memref_slice %arg9[%dma_wait3A, %dma_wait3A_8, %dma_wait3A_9] : memref<2x512x16xf32, #tpu.memory_space<vmem>> -> memref<1x512x16xf32, #tpu.memory_space<vmem>>
    %dma_wait3A_11 = tpu.memref_squeeze %dma_wait3A_10 : memref<1x512x16xf32, #tpu.memory_space<vmem>> -> memref<512x16xf32, #tpu.memory_space<vmem>>
    %dma_wait3A_12 = arith.constant 0 : i32
    %dma_wait3A_13 = tpu.memref_slice %arg5[%mul3A_2, %dma_wait3A_12] : memref<320000x16xf32, #tpu.memory_space<hbm>> -> memref<512x16xf32, #tpu.memory_space<hbm>>
    %dma_wait3A_14 = arith.constant 0 : i32
    %dma_wait3A_15 = tpu.memref_slice %arg5[%mul3A_2, %dma_wait3A_14] : memref<320000x16xf32, #tpu.memory_space<hbm>> -> memref<512x16xf32, #tpu.memory_space<hbm>>
    %dma_wait3A_16 = arith.constant 0 : i32
    %dma_wait3A_17 = arith.constant 0 : i32
    %dma_wait3A_18 = tpu.memref_slice %arg9[%dma_wait3A, %dma_wait3A_16, %dma_wait3A_17] : memref<2x512x16xf32, #tpu.memory_space<vmem>> -> memref<1x512x16xf32, #tpu.memory_space<vmem>>
    %dma_wait3A_19 = tpu.memref_squeeze %dma_wait3A_18 : memref<1x512x16xf32, #tpu.memory_space<vmem>> -> memref<512x16xf32, #tpu.memory_space<vmem>>
    tpu.wait_dma2 semaphore(%arg15 : memref<!tpu.dma_semaphore, #tpu.memory_space<semaphore_mem>>) src(%dma_wait3A_19 : memref<512x16xf32, #tpu.memory_space<vmem>>) dst(%dma_wait3A_15 : memref<512x16xf32, #tpu.memory_space<hbm>>)
    %dma_wait3A_20 = arith.constant 0 : i32
    %dma_wait3A_21 = arith.constant 0 : i32
    %dma_wait3A_22 = arith.constant 0 : i32
    %dma_wait3A_23 = tpu.memref_slice %arg10[%dma_wait3A_20, %dma_wait3A_21, %dma_wait3A_22] : memref<2x512x16xf32, #tpu.memory_space<vmem>> -> memref<1x512x16xf32, #tpu.memory_space<vmem>>
    %dma_wait3A_24 = tpu.memref_squeeze %dma_wait3A_23 : memref<1x512x16xf32, #tpu.memory_space<vmem>> -> memref<512x16xf32, #tpu.memory_space<vmem>>
    %dma_wait3A_25 = arith.constant 0 : i32
    %dma_wait3A_26 = tpu.memref_slice %arg6[%mul3A_2, %dma_wait3A_25] : memref<320000x16xf32, #tpu.memory_space<hbm>> -> memref<512x16xf32, #tpu.memory_space<hbm>>
    %dma_wait3A_27 = arith.constant 0 : i32
    %dma_wait3A_28 = tpu.memref_slice %arg6[%mul3A_2, %dma_wait3A_27] : memref<320000x16xf32, #tpu.memory_space<hbm>> -> memref<512x16xf32, #tpu.memory_space<hbm>>
    %dma_wait3A_29 = arith.constant 0 : i32
    %dma_wait3A_30 = arith.constant 0 : i32
    %dma_wait3A_31 = tpu.memref_slice %arg10[%dma_wait3A_20, %dma_wait3A_29, %dma_wait3A_30] : memref<2x512x16xf32, #tpu.memory_space<vmem>> -> memref<1x512x16xf32, #tpu.memory_space<vmem>>
    %dma_wait3A_32 = tpu.memref_squeeze %dma_wait3A_31 : memref<1x512x16xf32, #tpu.memory_space<vmem>> -> memref<512x16xf32, #tpu.memory_space<vmem>>
    tpu.wait_dma2 semaphore(%arg17 : memref<!tpu.dma_semaphore, #tpu.memory_space<semaphore_mem>>) src(%dma_wait3A_32 : memref<512x16xf32, #tpu.memory_space<vmem>>) dst(%dma_wait3A_28 : memref<512x16xf32, #tpu.memory_space<hbm>>)
    %dma_start3A = arith.constant 0 : i32
    %dma_start3A_33 = arith.constant 0 : i32
    %dma_start3A_34 = arith.constant 0 : i32
    %dma_start3A_35 = tpu.memref_slice %arg9[%dma_start3A, %dma_start3A_33, %dma_start3A_34] : memref<2x512x16xf32, #tpu.memory_space<vmem>> -> memref<1x128x16xf32, #tpu.memory_space<vmem>>
    %dma_start3A_36 = tpu.memref_squeeze %dma_start3A_35 : memref<1x128x16xf32, #tpu.memory_space<vmem>> -> memref<128x16xf32, #tpu.memory_space<vmem>>
    %dma_start3A_37 = arith.constant 9216 : i32
    %dma_start3A_38 = tpu.memref_slice %arg7[%dma_start3A_37] : memref<10000xi32, #tpu.memory_space<vmem>> -> memref<128xi32, #tpu.memory_space<vmem>>
    %dma_start3A_39 = arith.constant 0 : i32
    %dma_start3A_40 = arith.constant 0 : i32
    %dma_start3A_41 = tpu.memref_slice %arg2[%dma_start3A_39, %dma_start3A_40] : memref<10000x16xf32, #tpu.memory_space<hbm>> -> memref<10000x16xf32, #tpu.memory_space<hbm>>
    tpu.enqueue_indirect_dma source(%dma_start3A_41 : memref<10000x16xf32, #tpu.memory_space<hbm>>) target(%dma_start3A_36 : memref<128x16xf32, #tpu.memory_space<vmem>>) offsets(%dma_start3A_38 : memref<128xi32, #tpu.memory_space<vmem>>) semaphore(%arg11 : memref<!tpu.dma_semaphore, #tpu.memory_space<semaphore_mem>>)
    %dma_start3A_42 = arith.constant 0 : i32
    %dma_start3A_43 = arith.constant 0 : i32
    %dma_start3A_44 = arith.constant 0 : i32
    %dma_start3A_45 = tpu.memref_slice %arg10[%dma_start3A_42, %dma_start3A_43, %dma_start3A_44] : memref<2x512x16xf32, #tpu.memory_space<vmem>> -> memref<1x128x16xf32, #tpu.memory_space<vmem>>
    %dma_start3A_46 = tpu.memref_squeeze %dma_start3A_45 : memref<1x128x16xf32, #tpu.memory_space<vmem>> -> memref<128x16xf32, #tpu.memory_space<vmem>>
    %dma_start3A_47 = arith.constant 9216 : i32
    %dma_start3A_48 = tpu.memref_slice %arg8[%dma_start3A_47] : memref<10000xi32, #tpu.memory_space<vmem>> -> memref<128xi32, #tpu.memory_space<vmem>>
    %dma_start3A_49 = arith.constant 0 : i32
    %dma_start3A_50 = arith.constant 0 : i32
    %dma_start3A_51 = tpu.memref_slice %arg2[%dma_start3A_49, %dma_start3A_50] : memref<10000x16xf32, #tpu.memory_space<hbm>> -> memref<10000x16xf32, #tpu.memory_space<hbm>>
    tpu.enqueue_indirect_dma source(%dma_start3A_51 : memref<10000x16xf32, #tpu.memory_space<hbm>>) target(%dma_start3A_46 : memref<128x16xf32, #tpu.memory_space<vmem>>) offsets(%dma_start3A_48 : memref<128xi32, #tpu.memory_space<vmem>>) semaphore(%arg13 : memref<!tpu.dma_semaphore, #tpu.memory_space<semaphore_mem>>)
    %dma_start3A_52 = arith.constant 0 : i32
    %dma_start3A_53 = arith.constant 128 : i32
    %dma_start3A_54 = arith.constant 0 : i32
    %dma_start3A_55 = tpu.memref_slice %arg9[%dma_start3A_52, %dma_start3A_53, %dma_start3A_54] : memref<2x512x16xf32, #tpu.memory_space<vmem>> -> memref<1x128x16xf32, #tpu.memory_space<vmem>>
    %dma_start3A_56 = tpu.memref_squeeze %dma_start3A_55 : memref<1x128x16xf32, #tpu.memory_space<vmem>> -> memref<128x16xf32, #tpu.memory_space<vmem>>
    %dma_start3A_57 = arith.constant 9344 : i32
    %dma_start3A_58 = tpu.memref_slice %arg7[%dma_start3A_57] : memref<10000xi32, #tpu.memory_space<vmem>> -> memref<128xi32, #tpu.memory_space<vmem>>
    %dma_start3A_59 = arith.constant 0 : i32
    %dma_start3A_60 = arith.constant 0 : i32
    %dma_start3A_61 = tpu.memref_slice %arg2[%dma_start3A_59, %dma_start3A_60] : memref<10000x16xf32, #tpu.memory_space<hbm>> -> memref<10000x16xf32, #tpu.memory_space<hbm>>
    tpu.enqueue_indirect_dma source(%dma_start3A_61 : memref<10000x16xf32, #tpu.memory_space<hbm>>) target(%dma_start3A_56 : memref<128x16xf32, #tpu.memory_space<vmem>>) offsets(%dma_start3A_58 : memref<128xi32, #tpu.memory_space<vmem>>) semaphore(%arg11 : memref<!tpu.dma_semaphore, #tpu.memory_space<semaphore_mem>>)
    %dma_start3A_62 = arith.constant 0 : i32
    %dma_start3A_63 = arith.constant 128 : i32
    %dma_start3A_64 = arith.constant 0 : i32
    %dma_start3A_65 = tpu.memref_slice %arg10[%dma_start3A_62, %dma_start3A_63, %dma_start3A_64] : memref<2x512x16xf32, #tpu.memory_space<vmem>> -> memref<1x128x16xf32, #tpu.memory_space<vmem>>
    %dma_start3A_66 = tpu.memref_squeeze %dma_start3A_65 : memref<1x128x16xf32, #tpu.memory_space<vmem>> -> memref<128x16xf32, #tpu.memory_space<vmem>>
    %dma_start3A_67 = arith.constant 9344 : i32
    %dma_start3A_68 = tpu.memref_slice %arg8[%dma_start3A_67] : memref<10000xi32, #tpu.memory_space<vmem>> -> memref<128xi32, #tpu.memory_space<vmem>>
    %dma_start3A_69 = arith.constant 0 : i32
    %dma_start3A_70 = arith.constant 0 : i32
    %dma_start3A_71 = tpu.memref_slice %arg2[%dma_start3A_69, %dma_start3A_70] : memref<10000x16xf32, #tpu.memory_space<hbm>> -> memref<10000x16xf32, #tpu.memory_space<hbm>>
    tpu.enqueue_indirect_dma source(%dma_start3A_71 : memref<10000x16xf32, #tpu.memory_space<hbm>>) target(%dma_start3A_66 : memref<128x16xf32, #tpu.memory_space<vmem>>) offsets(%dma_start3A_68 : memref<128xi32, #tpu.memory_space<vmem>>) semaphore(%arg13 : memref<!tpu.dma_semaphore, #tpu.memory_space<semaphore_mem>>)
    %dma_start3A_72 = arith.constant 0 : i32
    %dma_start3A_73 = arith.constant 256 : i32
    %dma_start3A_74 = arith.constant 0 : i32
    %dma_start3A_75 = tpu.memref_slice %arg9[%dma_start3A_72, %dma_start3A_73, %dma_start3A_74] : memref<2x512x16xf32, #tpu.memory_space<vmem>> -> memref<1x128x16xf32, #tpu.memory_space<vmem>>
    %dma_start3A_76 = tpu.memref_squeeze %dma_start3A_75 : memref<1x128x16xf32, #tpu.memory_space<vmem>> -> memref<128x16xf32, #tpu.memory_space<vmem>>
    %dma_start3A_77 = arith.constant 9472 : i32
    %dma_start3A_78 = tpu.memref_slice %arg7[%dma_start3A_77] : memref<10000xi32, #tpu.memory_space<vmem>> -> memref<128xi32, #tpu.memory_space<vmem>>
    %dma_start3A_79 = arith.constant 0 : i32
    %dma_start3A_80 = arith.constant 0 : i32
    %dma_start3A_81 = tpu.memref_slice %arg2[%dma_start3A_79, %dma_start3A_80] : memref<10000x16xf32, #tpu.memory_space<hbm>> -> memref<10000x16xf32, #tpu.memory_space<hbm>>
    tpu.enqueue_indirect_dma source(%dma_start3A_81 : memref<10000x16xf32, #tpu.memory_space<hbm>>) target(%dma_start3A_76 : memref<128x16xf32, #tpu.memory_space<vmem>>) offsets(%dma_start3A_78 : memref<128xi32, #tpu.memory_space<vmem>>) semaphore(%arg11 : memref<!tpu.dma_semaphore, #tpu.memory_space<semaphore_mem>>)
    %dma_start3A_82 = arith.constant 0 : i32
    %dma_start3A_83 = arith.constant 256 : i32
    %dma_start3A_84 = arith.constant 0 : i32
    %dma_start3A_85 = tpu.memref_slice %arg10[%dma_start3A_82, %dma_start3A_83, %dma_start3A_84] : memref<2x512x16xf32, #tpu.memory_space<vmem>> -> memref<1x128x16xf32, #tpu.memory_space<vmem>>
    %dma_start3A_86 = tpu.memref_squeeze %dma_start3A_85 : memref<1x128x16xf32, #tpu.memory_space<vmem>> -> memref<128x16xf32, #tpu.memory_space<vmem>>
    %dma_start3A_87 = arith.constant 9472 : i32
    %dma_start3A_88 = tpu.memref_slice %arg8[%dma_start3A_87] : memref<10000xi32, #tpu.memory_space<vmem>> -> memref<128xi32, #tpu.memory_space<vmem>>
    %dma_start3A_89 = arith.constant 0 : i32
    %dma_start3A_90 = arith.constant 0 : i32
    %dma_start3A_91 = tpu.memref_slice %arg2[%dma_start3A_89, %dma_start3A_90] : memref<10000x16xf32, #tpu.memory_space<hbm>> -> memref<10000x16xf32, #tpu.memory_space<hbm>>
    tpu.enqueue_indirect_dma source(%dma_start3A_91 : memref<10000x16xf32, #tpu.memory_space<hbm>>) target(%dma_start3A_86 : memref<128x16xf32, #tpu.memory_space<vmem>>) offsets(%dma_start3A_88 : memref<128xi32, #tpu.memory_space<vmem>>) semaphore(%arg13 : memref<!tpu.dma_semaphore, #tpu.memory_space<semaphore_mem>>)
    %dma_start3A_92 = arith.constant 0 : i32
    %dma_start3A_93 = arith.constant 384 : i32
    %dma_start3A_94 = arith.constant 0 : i32
    %dma_start3A_95 = tpu.memref_slice %arg9[%dma_start3A_92, %dma_start3A_93, %dma_start3A_94] : memref<2x512x16xf32, #tpu.memory_space<vmem>> -> memref<1x128x16xf32, #tpu.memory_space<vmem>>
    %dma_start3A_96 = tpu.memref_squeeze %dma_start3A_95 : memref<1x128x16xf32, #tpu.memory_space<vmem>> -> memref<128x16xf32, #tpu.memory_space<vmem>>
    %dma_start3A_97 = arith.constant 9600 : i32
    %dma_start3A_98 = tpu.memref_slice %arg7[%dma_start3A_97] : memref<10000xi32, #tpu.memory_space<vmem>> -> memref<128xi32, #tpu.memory_space<vmem>>
    %dma_start3A_99 = arith.constant 0 : i32
    %dma_start3A_100 = arith.constant 0 : i32
    %dma_start3A_101 = tpu.memref_slice %arg2[%dma_start3A_99, %dma_start3A_100] : memref<10000x16xf32, #tpu.memory_space<hbm>> -> memref<10000x16xf32, #tpu.memory_space<hbm>>
    tpu.enqueue_indirect_dma source(%dma_start3A_101 : memref<10000x16xf32, #tpu.memory_space<hbm>>) target(%dma_start3A_96 : memref<128x16xf32, #tpu.memory_space<vmem>>) offsets(%dma_start3A_98 : memref<128xi32, #tpu.memory_space<vmem>>) semaphore(%arg11 : memref<!tpu.dma_semaphore, #tpu.memory_space<semaphore_mem>>)
    %dma_start3A_102 = arith.constant 0 : i32
    %dma_start3A_103 = arith.constant 384 : i32
    %dma_start3A_104 = arith.constant 0 : i32
    %dma_start3A_105 = tpu.memref_slice %arg10[%dma_start3A_102, %dma_start3A_103, %dma_start3A_104] : memref<2x512x16xf32, #tpu.memory_space<vmem>> -> memref<1x128x16xf32, #tpu.memory_space<vmem>>
    %dma_start3A_106 = tpu.memref_squeeze %dma_start3A_105 : memref<1x128x16xf32, #tpu.memory_space<vmem>> -> memref<128x16xf32, #tpu.memory_space<vmem>>
    %dma_start3A_107 = arith.constant 9600 : i32
    %dma_start3A_108 = tpu.memref_slice %arg8[%dma_start3A_107] : memref<10000xi32, #tpu.memory_space<vmem>> -> memref<128xi32, #tpu.memory_space<vmem>>
    %dma_start3A_109 = arith.constant 0 : i32
    %dma_start3A_110 = arith.constant 0 : i32
    %dma_start3A_111 = tpu.memref_slice %arg2[%dma_start3A_109, %dma_start3A_110] : memref<10000x16xf32, #tpu.memory_space<hbm>> -> memref<10000x16xf32, #tpu.memory_space<hbm>>
    tpu.enqueue_indirect_dma source(%dma_start3A_111 : memref<10000x16xf32, #tpu.memory_space<hbm>>) target(%dma_start3A_106 : memref<128x16xf32, #tpu.memory_space<vmem>>) offsets(%dma_start3A_108 : memref<128xi32, #tpu.memory_space<vmem>>) semaphore(%arg13 : memref<!tpu.dma_semaphore, #tpu.memory_space<semaphore_mem>>)
    %dma_wait3A_112 = arith.constant 1 : i32
    %dma_wait3A_113 = arith.constant 0 : i32
    %dma_wait3A_114 = arith.constant 0 : i32
    %dma_wait3A_115 = tpu.memref_slice %arg9[%dma_wait3A_112, %dma_wait3A_113, %dma_wait3A_114] : memref<2x512x16xf32, #tpu.memory_space<vmem>> -> memref<1x512x16xf32, #tpu.memory_space<vmem>>
    %dma_wait3A_116 = tpu.memref_squeeze %dma_wait3A_115 : memref<1x512x16xf32, #tpu.memory_space<vmem>> -> memref<512x16xf32, #tpu.memory_space<vmem>>
    %dma_wait3A_117 = arith.constant 0 : i32
    %dma_wait3A_118 = arith.constant 0 : i32
    %dma_wait3A_119 = tpu.memref_slice %arg2[%dma_wait3A_117, %dma_wait3A_118] : memref<10000x16xf32, #tpu.memory_space<hbm>> -> memref<512x16xf32, #tpu.memory_space<hbm>>
    %dma_wait3A_120 = arith.constant 0 : i32
    %dma_wait3A_121 = arith.constant 0 : i32
    %dma_wait3A_122 = tpu.memref_slice %arg9[%dma_wait3A_112, %dma_wait3A_120, %dma_wait3A_121] : memref<2x512x16xf32, #tpu.memory_space<vmem>> -> memref<1x512x16xf32, #tpu.memory_space<vmem>>
    %dma_wait3A_123 = tpu.memref_squeeze %dma_wait3A_122 : memref<1x512x16xf32, #tpu.memory_space<vmem>> -> memref<512x16xf32, #tpu.memory_space<vmem>>
    %dma_wait3A_124 = arith.constant 0 : i32
    %dma_wait3A_125 = arith.constant 0 : i32
    %dma_wait3A_126 = tpu.memref_slice %arg2[%dma_wait3A_124, %dma_wait3A_125] : memref<10000x16xf32, #tpu.memory_space<hbm>> -> memref<512x16xf32, #tpu.memory_space<hbm>>
    tpu.wait_dma2 semaphore(%arg12 : memref<!tpu.dma_semaphore, #tpu.memory_space<semaphore_mem>>) src(%dma_wait3A_126 : memref<512x16xf32, #tpu.memory_space<hbm>>) dst(%dma_wait3A_123 : memref<512x16xf32, #tpu.memory_space<vmem>>)
    %dma_wait3A_127 = arith.constant 1 : i32
    %dma_wait3A_128 = arith.constant 0 : i32
    %dma_wait3A_129 = arith.constant 0 : i32
    %dma_wait3A_130 = tpu.memref_slice %arg10[%dma_wait3A_127, %dma_wait3A_128, %dma_wait3A_129] : memref<2x512x16xf32, #tpu.memory_space<vmem>> -> memref<1x512x16xf32, #tpu.memory_space<vmem>>
    %dma_wait3A_131 = tpu.memref_squeeze %dma_wait3A_130 : memref<1x512x16xf32, #tpu.memory_space<vmem>> -> memref<512x16xf32, #tpu.memory_space<vmem>>
    %dma_wait3A_132 = arith.constant 0 : i32
    %dma_wait3A_133 = arith.constant 0 : i32
    %dma_wait3A_134 = tpu.memref_slice %arg2[%dma_wait3A_132, %dma_wait3A_133] : memref<10000x16xf32, #tpu.memory_space<hbm>> -> memref<512x16xf32, #tpu.memory_space<hbm>>
    %dma_wait3A_135 = arith.constant 0 : i32
    %dma_wait3A_136 = arith.constant 0 : i32
    %dma_wait3A_137 = tpu.memref_slice %arg10[%dma_wait3A_127, %dma_wait3A_135, %dma_wait3A_136] : memref<2x512x16xf32, #tpu.memory_space<vmem>> -> memref<1x512x16xf32, #tpu.memory_space<vmem>>
    %dma_wait3A_138 = tpu.memref_squeeze %dma_wait3A_137 : memref<1x512x16xf32, #tpu.memory_space<vmem>> -> memref<512x16xf32, #tpu.memory_space<vmem>>
    %dma_wait3A_139 = arith.constant 0 : i32
    %dma_wait3A_140 = arith.constant 0 : i32
    %dma_wait3A_141 = tpu.memref_slice %arg2[%dma_wait3A_139, %dma_wait3A_140] : memref<10000x16xf32, #tpu.memory_space<hbm>> -> memref<512x16xf32, #tpu.memory_space<hbm>>
    tpu.wait_dma2 semaphore(%arg14 : memref<!tpu.dma_semaphore, #tpu.memory_space<semaphore_mem>>) src(%dma_wait3A_141 : memref<512x16xf32, #tpu.memory_space<hbm>>) dst(%dma_wait3A_138 : memref<512x16xf32, #tpu.memory_space<vmem>>)
    %add3A_142 = arith.constant 8704 : i32
    %add3A_143 = arith.addi %mul3A_2, %add3A_142 : i32
    %dma_start3A_144 = arith.constant 1 : i32
    %dma_start3A_145 = arith.constant 0 : i32
    %dma_start3A_146 = arith.constant 0 : i32
    %dma_start3A_147 = tpu.memref_slice %arg9[%dma_start3A_144, %dma_start3A_145, %dma_start3A_146] : memref<2x512x16xf32, #tpu.memory_space<vmem>> -> memref<1x512x16xf32, #tpu.memory_space<vmem>>
    %dma_start3A_148 = tpu.memref_squeeze %dma_start3A_147 : memref<1x512x16xf32, #tpu.memory_space<vmem>> -> memref<512x16xf32, #tpu.memory_space<vmem>>
    %dma_start3A_149 = arith.constant 0 : i32
    %dma_start3A_150 = tpu.memref_slice %arg5[%add3A_143, %dma_start3A_149] : memref<320000x16xf32, #tpu.memory_space<hbm>> -> memref<512x16xf32, #tpu.memory_space<hbm>>
    %dma_start3A_151 = arith.constant 0 : i32
    %dma_start3A_152 = tpu.memref_slice %arg5[%add3A_143, %dma_start3A_151] : memref<320000x16xf32, #tpu.memory_space<hbm>> -> memref<512x16xf32, #tpu.memory_space<hbm>>
    %dma_start3A_153 = arith.constant 0 : i32
    %dma_start3A_154 = arith.constant 0 : i32
    %dma_start3A_155 = tpu.memref_slice %arg9[%dma_start3A_144, %dma_start3A_153, %dma_start3A_154] : memref<2x512x16xf32, #tpu.memory_space<vmem>> -> memref<1x512x16xf32, #tpu.memory_space<vmem>>
    %dma_start3A_156 = tpu.memref_squeeze %dma_start3A_155 : memref<1x512x16xf32, #tpu.memory_space<vmem>> -> memref<512x16xf32, #tpu.memory_space<vmem>>
    tpu.enqueue_dma source(%dma_start3A_156 : memref<512x16xf32, #tpu.memory_space<vmem>>) target(%dma_start3A_152 : memref<512x16xf32, #tpu.memory_space<hbm>>) target_semaphore(%arg16 : memref<!tpu.dma_semaphore, #tpu.memory_space<semaphore_mem>>)
    %dma_start3A_157 = arith.constant 1 : i32
    %dma_start3A_158 = arith.constant 0 : i32
    %dma_start3A_159 = arith.constant 0 : i32
    %dma_start3A_160 = tpu.memref_slice %arg10[%dma_start3A_157, %dma_start3A_158, %dma_start3A_159] : memref<2x512x16xf32, #tpu.memory_space<vmem>> -> memref<1x512x16xf32, #tpu.memory_space<vmem>>
    %dma_start3A_161 = tpu.memref_squeeze %dma_start3A_160 : memref<1x512x16xf32, #tpu.memory_space<vmem>> -> memref<512x16xf32, #tpu.memory_space<vmem>>
    %dma_start3A_162 = arith.constant 0 : i32
    %dma_start3A_163 = tpu.memref_slice %arg6[%add3A_143, %dma_start3A_162] : memref<320000x16xf32, #tpu.memory_space<hbm>> -> memref<512x16xf32, #tpu.memory_space<hbm>>
    %dma_start3A_164 = arith.constant 0 : i32
    %dma_start3A_165 = tpu.memref_slice %arg6[%add3A_143, %dma_start3A_164] : memref<320000x16xf32, #tpu.memory_space<hbm>> -> memref<512x16xf32, #tpu.memory_space<hbm>>
    %dma_start3A_166 = arith.constant 0 : i32
    %dma_start3A_167 = arith.constant 0 : i32
    %dma_start3A_168 = tpu.memref_slice %arg10[%dma_start3A_157, %dma_start3A_166, %dma_start3A_167] : memref<2x512x16xf32, #tpu.memory_space<vmem>> -> memref<1x512x16xf32, #tpu.memory_space<vmem>>
    %dma_start3A_169 = tpu.memref_squeeze %dma_start3A_168 : memref<1x512x16xf32, #tpu.memory_space<vmem>> -> memref<512x16xf32, #tpu.memory_space<vmem>>
    tpu.enqueue_dma source(%dma_start3A_169 : memref<512x16xf32, #tpu.memory_space<vmem>>) target(%dma_start3A_165 : memref<512x16xf32, #tpu.memory_space<hbm>>) target_semaphore(%arg18 : memref<!tpu.dma_semaphore, #tpu.memory_space<semaphore_mem>>)
    %dma_wait3A_170 = arith.constant 1 : i32
    %dma_wait3A_171 = arith.constant 0 : i32
    %dma_wait3A_172 = arith.constant 0 : i32
    %dma_wait3A_173 = tpu.memref_slice %arg9[%dma_wait3A_170, %dma_wait3A_171, %dma_wait3A_172] : memref<2x512x16xf32, #tpu.memory_space<vmem>> -> memref<1x512x16xf32, #tpu.memory_space<vmem>>
    %dma_wait3A_174 = tpu.memref_squeeze %dma_wait3A_173 : memref<1x512x16xf32, #tpu.memory_space<vmem>> -> memref<512x16xf32, #tpu.memory_space<vmem>>
    %dma_wait3A_175 = arith.constant 0 : i32
    %dma_wait3A_176 = tpu.memref_slice %arg5[%mul3A_2, %dma_wait3A_175] : memref<320000x16xf32, #tpu.memory_space<hbm>> -> memref<512x16xf32, #tpu.memory_space<hbm>>
    %dma_wait3A_177 = arith.constant 0 : i32
    %dma_wait3A_178 = tpu.memref_slice %arg5[%mul3A_2, %dma_wait3A_177] : memref<320000x16xf32, #tpu.memory_space<hbm>> -> memref<512x16xf32, #tpu.memory_space<hbm>>
    %dma_wait3A_179 = arith.constant 0 : i32
    %dma_wait3A_180 = arith.constant 0 : i32
    %dma_wait3A_181 = tpu.memref_slice %arg9[%dma_wait3A_170, %dma_wait3A_179, %dma_wait3A_180] : memref<2x512x16xf32, #tpu.memory_space<vmem>> -> memref<1x512x16xf32, #tpu.memory_space<vmem>>
    %dma_wait3A_182 = tpu.memref_squeeze %dma_wait3A_181 : memref<1x512x16xf32, #tpu.memory_space<vmem>> -> memref<512x16xf32, #tpu.memory_space<vmem>>
    tpu.wait_dma2 semaphore(%arg16 : memref<!tpu.dma_semaphore, #tpu.memory_space<semaphore_mem>>) src(%dma_wait3A_182 : memref<512x16xf32, #tpu.memory_space<vmem>>) dst(%dma_wait3A_178 : memref<512x16xf32, #tpu.memory_space<hbm>>)
    %dma_wait3A_183 = arith.constant 1 : i32
    %dma_wait3A_184 = arith.constant 0 : i32
    %dma_wait3A_185 = arith.constant 0 : i32
    %dma_wait3A_186 = tpu.memref_slice %arg10[%dma_wait3A_183, %dma_wait3A_184, %dma_wait3A_185] : memref<2x512x16xf32, #tpu.memory_space<vmem>> -> memref<1x512x16xf32, #tpu.memory_space<vmem>>
    %dma_wait3A_187 = tpu.memref_squeeze %dma_wait3A_186 : memref<1x512x16xf32, #tpu.memory_space<vmem>> -> memref<512x16xf32, #tpu.memory_space<vmem>>
    %dma_wait3A_188 = arith.constant 0 : i32
    %dma_wait3A_189 = tpu.memref_slice %arg6[%mul3A_2, %dma_wait3A_188] : memref<320000x16xf32, #tpu.memory_space<hbm>> -> memref<512x16xf32, #tpu.memory_space<hbm>>
    %dma_wait3A_190 = arith.constant 0 : i32
    %dma_wait3A_191 = tpu.memref_slice %arg6[%mul3A_2, %dma_wait3A_190] : memref<320000x16xf32, #tpu.memory_space<hbm>> -> memref<512x16xf32, #tpu.memory_space<hbm>>
    %dma_wait3A_192 = arith.constant 0 : i32
    %dma_wait3A_193 = arith.constant 0 : i32
    %dma_wait3A_194 = tpu.memref_slice %arg10[%dma_wait3A_183, %dma_wait3A_192, %dma_wait3A_193] : memref<2x512x16xf32, #tpu.memory_space<vmem>> -> memref<1x512x16xf32, #tpu.memory_space<vmem>>
    %dma_wait3A_195 = tpu.memref_squeeze %dma_wait3A_194 : memref<1x512x16xf32, #tpu.memory_space<vmem>> -> memref<512x16xf32, #tpu.memory_space<vmem>>
    tpu.wait_dma2 semaphore(%arg18 : memref<!tpu.dma_semaphore, #tpu.memory_space<semaphore_mem>>) src(%dma_wait3A_195 : memref<512x16xf32, #tpu.memory_space<vmem>>) dst(%dma_wait3A_191 : memref<512x16xf32, #tpu.memory_space<hbm>>)
    %dma_start3A_196 = arith.constant 1 : i32
    %dma_start3A_197 = arith.constant 0 : i32
    %dma_start3A_198 = arith.constant 0 : i32
    %dma_start3A_199 = tpu.memref_slice %arg9[%dma_start3A_196, %dma_start3A_197, %dma_start3A_198] : memref<2x512x16xf32, #tpu.memory_space<vmem>> -> memref<1x128x16xf32, #tpu.memory_space<vmem>>
    %dma_start3A_200 = tpu.memref_squeeze %dma_start3A_199 : memref<1x128x16xf32, #tpu.memory_space<vmem>> -> memref<128x16xf32, #tpu.memory_space<vmem>>
    %dma_start3A_201 = arith.constant 9728 : i32
    %dma_start3A_202 = tpu.memref_slice %arg7[%dma_start3A_201] : memref<10000xi32, #tpu.memory_space<vmem>> -> memref<128xi32, #tpu.memory_space<vmem>>
    %dma_start3A_203 = arith.constant 0 : i32
    %dma_start3A_204 = arith.constant 0 : i32
    %dma_start3A_205 = tpu.memref_slice %arg2[%dma_start3A_203, %dma_start3A_204] : memref<10000x16xf32, #tpu.memory_space<hbm>> -> memref<10000x16xf32, #tpu.memory_space<hbm>>
    tpu.enqueue_indirect_dma source(%dma_start3A_205 : memref<10000x16xf32, #tpu.memory_space<hbm>>) target(%dma_start3A_200 : memref<128x16xf32, #tpu.memory_space<vmem>>) offsets(%dma_start3A_202 : memref<128xi32, #tpu.memory_space<vmem>>) semaphore(%arg12 : memref<!tpu.dma_semaphore, #tpu.memory_space<semaphore_mem>>)
    %dma_start3A_206 = arith.constant 1 : i32
    %dma_start3A_207 = arith.constant 0 : i32
    %dma_start3A_208 = arith.constant 0 : i32
    %dma_start3A_209 = tpu.memref_slice %arg10[%dma_start3A_206, %dma_start3A_207, %dma_start3A_208] : memref<2x512x16xf32, #tpu.memory_space<vmem>> -> memref<1x128x16xf32, #tpu.memory_space<vmem>>
    %dma_start3A_210 = tpu.memref_squeeze %dma_start3A_209 : memref<1x128x16xf32, #tpu.memory_space<vmem>> -> memref<128x16xf32, #tpu.memory_space<vmem>>
    %dma_start3A_211 = arith.constant 9728 : i32
    %dma_start3A_212 = tpu.memref_slice %arg8[%dma_start3A_211] : memref<10000xi32, #tpu.memory_space<vmem>> -> memref<128xi32, #tpu.memory_space<vmem>>
    %dma_start3A_213 = arith.constant 0 : i32
    %dma_start3A_214 = arith.constant 0 : i32
    %dma_start3A_215 = tpu.memref_slice %arg2[%dma_start3A_213, %dma_start3A_214] : memref<10000x16xf32, #tpu.memory_space<hbm>> -> memref<10000x16xf32, #tpu.memory_space<hbm>>
    tpu.enqueue_indirect_dma source(%dma_start3A_215 : memref<10000x16xf32, #tpu.memory_space<hbm>>) target(%dma_start3A_210 : memref<128x16xf32, #tpu.memory_space<vmem>>) offsets(%dma_start3A_212 : memref<128xi32, #tpu.memory_space<vmem>>) semaphore(%arg14 : memref<!tpu.dma_semaphore, #tpu.memory_space<semaphore_mem>>)
    %dma_start3A_216 = arith.constant 1 : i32
    %dma_start3A_217 = arith.constant 128 : i32
    %dma_start3A_218 = arith.constant 0 : i32
    %dma_start3A_219 = tpu.memref_slice %arg9[%dma_start3A_216, %dma_start3A_217, %dma_start3A_218] : memref<2x512x16xf32, #tpu.memory_space<vmem>> -> memref<1x128x16xf32, #tpu.memory_space<vmem>>
    %dma_start3A_220 = tpu.memref_squeeze %dma_start3A_219 : memref<1x128x16xf32, #tpu.memory_space<vmem>> -> memref<128x16xf32, #tpu.memory_space<vmem>>
    %dma_start3A_221 = arith.constant 9856 : i32
    %dma_start3A_222 = tpu.memref_slice %arg7[%dma_start3A_221] : memref<10000xi32, #tpu.memory_space<vmem>> -> memref<128xi32, #tpu.memory_space<vmem>>
    %dma_start3A_223 = arith.constant 0 : i32
    %dma_start3A_224 = arith.constant 0 : i32
    %dma_start3A_225 = tpu.memref_slice %arg2[%dma_start3A_223, %dma_start3A_224] : memref<10000x16xf32, #tpu.memory_space<hbm>> -> memref<10000x16xf32, #tpu.memory_space<hbm>>
    tpu.enqueue_indirect_dma source(%dma_start3A_225 : memref<10000x16xf32, #tpu.memory_space<hbm>>) target(%dma_start3A_220 : memref<128x16xf32, #tpu.memory_space<vmem>>) offsets(%dma_start3A_222 : memref<128xi32, #tpu.memory_space<vmem>>) semaphore(%arg12 : memref<!tpu.dma_semaphore, #tpu.memory_space<semaphore_mem>>)
    %dma_start3A_226 = arith.constant 1 : i32
    %dma_start3A_227 = arith.constant 128 : i32
    %dma_start3A_228 = arith.constant 0 : i32
    %dma_start3A_229 = tpu.memref_slice %arg10[%dma_start3A_226, %dma_start3A_227, %dma_start3A_228] : memref<2x512x16xf32, #tpu.memory_space<vmem>> -> memref<1x128x16xf32, #tpu.memory_space<vmem>>
    %dma_start3A_230 = tpu.memref_squeeze %dma_start3A_229 : memref<1x128x16xf32, #tpu.memory_space<vmem>> -> memref<128x16xf32, #tpu.memory_space<vmem>>
    %dma_start3A_231 = arith.constant 9856 : i32
    %dma_start3A_232 = tpu.memref_slice %arg8[%dma_start3A_231] : memref<10000xi32, #tpu.memory_space<vmem>> -> memref<128xi32, #tpu.memory_space<vmem>>
    %dma_start3A_233 = arith.constant 0 : i32
    %dma_start3A_234 = arith.constant 0 : i32
    %dma_start3A_235 = tpu.memref_slice %arg2[%dma_start3A_233, %dma_start3A_234] : memref<10000x16xf32, #tpu.memory_space<hbm>> -> memref<10000x16xf32, #tpu.memory_space<hbm>>
    tpu.enqueue_indirect_dma source(%dma_start3A_235 : memref<10000x16xf32, #tpu.memory_space<hbm>>) target(%dma_start3A_230 : memref<128x16xf32, #tpu.memory_space<vmem>>) offsets(%dma_start3A_232 : memref<128xi32, #tpu.memory_space<vmem>>) semaphore(%arg14 : memref<!tpu.dma_semaphore, #tpu.memory_space<semaphore_mem>>)
    %dma_start3A_236 = arith.constant 1 : i32
    %dma_start3A_237 = arith.constant 256 : i32
    %dma_start3A_238 = arith.constant 0 : i32
    %dma_start3A_239 = tpu.memref_slice %arg9[%dma_start3A_236, %dma_start3A_237, %dma_start3A_238] : memref<2x512x16xf32, #tpu.memory_space<vmem>> -> memref<1x16x16xf32, #tpu.memory_space<vmem>>
    %dma_start3A_240 = tpu.memref_squeeze %dma_start3A_239 : memref<1x16x16xf32, #tpu.memory_space<vmem>> -> memref<16x16xf32, #tpu.memory_space<vmem>>
    %dma_start3A_241 = arith.constant 9984 : i32
    %dma_start3A_242 = tpu.memref_slice %arg7[%dma_start3A_241] : memref<10000xi32, #tpu.memory_space<vmem>> -> memref<16xi32, #tpu.memory_space<vmem>>
    %dma_start3A_243 = arith.constant 0 : i32
    %dma_start3A_244 = arith.constant 0 : i32
    %dma_start3A_245 = tpu.memref_slice %arg2[%dma_start3A_243, %dma_start3A_244] : memref<10000x16xf32, #tpu.memory_space<hbm>> -> memref<10000x16xf32, #tpu.memory_space<hbm>>
    tpu.enqueue_indirect_dma source(%dma_start3A_245 : memref<10000x16xf32, #tpu.memory_space<hbm>>) target(%dma_start3A_240 : memref<16x16xf32, #tpu.memory_space<vmem>>) offsets(%dma_start3A_242 : memref<16xi32, #tpu.memory_space<vmem>>) semaphore(%arg12 : memref<!tpu.dma_semaphore, #tpu.memory_space<semaphore_mem>>)
    %dma_start3A_246 = arith.constant 1 : i32
    %dma_start3A_247 = arith.constant 256 : i32
    %dma_start3A_248 = arith.constant 0 : i32
    %dma_start3A_249 = tpu.memref_slice %arg10[%dma_start3A_246, %dma_start3A_247, %dma_start3A_248] : memref<2x512x16xf32, #tpu.memory_space<vmem>> -> memref<1x16x16xf32, #tpu.memory_space<vmem>>
    %dma_start3A_250 = tpu.memref_squeeze %dma_start3A_249 : memref<1x16x16xf32, #tpu.memory_space<vmem>> -> memref<16x16xf32, #tpu.memory_space<vmem>>
    %dma_start3A_251 = arith.constant 9984 : i32
    %dma_start3A_252 = tpu.memref_slice %arg8[%dma_start3A_251] : memref<10000xi32, #tpu.memory_space<vmem>> -> memref<16xi32, #tpu.memory_space<vmem>>
    %dma_start3A_253 = arith.constant 0 : i32
    %dma_start3A_254 = arith.constant 0 : i32
    %dma_start3A_255 = tpu.memref_slice %arg2[%dma_start3A_253, %dma_start3A_254] : memref<10000x16xf32, #tpu.memory_space<hbm>> -> memref<10000x16xf32, #tpu.memory_space<hbm>>
    tpu.enqueue_indirect_dma source(%dma_start3A_255 : memref<10000x16xf32, #tpu.memory_space<hbm>>) target(%dma_start3A_250 : memref<16x16xf32, #tpu.memory_space<vmem>>) offsets(%dma_start3A_252 : memref<16xi32, #tpu.memory_space<vmem>>) semaphore(%arg14 : memref<!tpu.dma_semaphore, #tpu.memory_space<semaphore_mem>>)
    %dma_wait3A_256 = arith.constant 0 : i32
    %dma_wait3A_257 = arith.constant 0 : i32
    %dma_wait3A_258 = arith.constant 0 : i32
    %dma_wait3A_259 = tpu.memref_slice %arg9[%dma_wait3A_256, %dma_wait3A_257, %dma_wait3A_258] : memref<2x512x16xf32, #tpu.memory_space<vmem>> -> memref<1x512x16xf32, #tpu.memory_space<vmem>>
    %dma_wait3A_260 = tpu.memref_squeeze %dma_wait3A_259 : memref<1x512x16xf32, #tpu.memory_space<vmem>> -> memref<512x16xf32, #tpu.memory_space<vmem>>
    %dma_wait3A_261 = arith.constant 0 : i32
    %dma_wait3A_262 = arith.constant 0 : i32
    %dma_wait3A_263 = tpu.memref_slice %arg2[%dma_wait3A_261, %dma_wait3A_262] : memref<10000x16xf32, #tpu.memory_space<hbm>> -> memref<512x16xf32, #tpu.memory_space<hbm>>
    %dma_wait3A_264 = arith.constant 0 : i32
    %dma_wait3A_265 = arith.constant 0 : i32
    %dma_wait3A_266 = tpu.memref_slice %arg9[%dma_wait3A_256, %dma_wait3A_264, %dma_wait3A_265] : memref<2x512x16xf32, #tpu.memory_space<vmem>> -> memref<1x512x16xf32, #tpu.memory_space<vmem>>
    %dma_wait3A_267 = tpu.memref_squeeze %dma_wait3A_266 : memref<1x512x16xf32, #tpu.memory_space<vmem>> -> memref<512x16xf32, #tpu.memory_space<vmem>>
    %dma_wait3A_268 = arith.constant 0 : i32
    %dma_wait3A_269 = arith.constant 0 : i32
    %dma_wait3A_270 = tpu.memref_slice %arg2[%dma_wait3A_268, %dma_wait3A_269] : memref<10000x16xf32, #tpu.memory_space<hbm>> -> memref<512x16xf32, #tpu.memory_space<hbm>>
    tpu.wait_dma2 semaphore(%arg11 : memref<!tpu.dma_semaphore, #tpu.memory_space<semaphore_mem>>) src(%dma_wait3A_270 : memref<512x16xf32, #tpu.memory_space<hbm>>) dst(%dma_wait3A_267 : memref<512x16xf32, #tpu.memory_space<vmem>>)
    %dma_wait3A_271 = arith.constant 0 : i32
    %dma_wait3A_272 = arith.constant 0 : i32
    %dma_wait3A_273 = arith.constant 0 : i32
    %dma_wait3A_274 = tpu.memref_slice %arg10[%dma_wait3A_271, %dma_wait3A_272, %dma_wait3A_273] : memref<2x512x16xf32, #tpu.memory_space<vmem>> -> memref<1x512x16xf32, #tpu.memory_space<vmem>>
    %dma_wait3A_275 = tpu.memref_squeeze %dma_wait3A_274 : memref<1x512x16xf32, #tpu.memory_space<vmem>> -> memref<512x16xf32, #tpu.memory_space<vmem>>
    %dma_wait3A_276 = arith.constant 0 : i32
    %dma_wait3A_277 = arith.constant 0 : i32
    %dma_wait3A_278 = tpu.memref_slice %arg2[%dma_wait3A_276, %dma_wait3A_277] : memref<10000x16xf32, #tpu.memory_space<hbm>> -> memref<512x16xf32, #tpu.memory_space<hbm>>
    %dma_wait3A_279 = arith.constant 0 : i32
    %dma_wait3A_280 = arith.constant 0 : i32
    %dma_wait3A_281 = tpu.memref_slice %arg10[%dma_wait3A_271, %dma_wait3A_279, %dma_wait3A_280] : memref<2x512x16xf32, #tpu.memory_space<vmem>> -> memref<1x512x16xf32, #tpu.memory_space<vmem>>
    %dma_wait3A_282 = tpu.memref_squeeze %dma_wait3A_281 : memref<1x512x16xf32, #tpu.memory_space<vmem>> -> memref<512x16xf32, #tpu.memory_space<vmem>>
    %dma_wait3A_283 = arith.constant 0 : i32
    %dma_wait3A_284 = arith.constant 0 : i32
    %dma_wait3A_285 = tpu.memref_slice %arg2[%dma_wait3A_283, %dma_wait3A_284] : memref<10000x16xf32, #tpu.memory_space<hbm>> -> memref<512x16xf32, #tpu.memory_space<hbm>>
    tpu.wait_dma2 semaphore(%arg13 : memref<!tpu.dma_semaphore, #tpu.memory_space<semaphore_mem>>) src(%dma_wait3A_285 : memref<512x16xf32, #tpu.memory_space<hbm>>) dst(%dma_wait3A_282 : memref<512x16xf32, #tpu.memory_space<vmem>>)
    %add3A_286 = arith.constant 9216 : i32
    %add3A_287 = arith.addi %mul3A_2, %add3A_286 : i32
    %dma_start3A_288 = arith.constant 0 : i32
    %dma_start3A_289 = arith.constant 0 : i32
    %dma_start3A_290 = arith.constant 0 : i32
    %dma_start3A_291 = tpu.memref_slice %arg9[%dma_start3A_288, %dma_start3A_289, %dma_start3A_290] : memref<2x512x16xf32, #tpu.memory_space<vmem>> -> memref<1x512x16xf32, #tpu.memory_space<vmem>>
    %dma_start3A_292 = tpu.memref_squeeze %dma_start3A_291 : memref<1x512x16xf32, #tpu.memory_space<vmem>> -> memref<512x16xf32, #tpu.memory_space<vmem>>
    %dma_start3A_293 = arith.constant 0 : i32
    %dma_start3A_294 = tpu.memref_slice %arg5[%add3A_287, %dma_start3A_293] : memref<320000x16xf32, #tpu.memory_space<hbm>> -> memref<512x16xf32, #tpu.memory_space<hbm>>
    %dma_start3A_295 = arith.constant 0 : i32
    %dma_start3A_296 = tpu.memref_slice %arg5[%add3A_287, %dma_start3A_295] : memref<320000x16xf32, #tpu.memory_space<hbm>> -> memref<512x16xf32, #tpu.memory_space<hbm>>
    %dma_start3A_297 = arith.constant 0 : i32
    %dma_start3A_298 = arith.constant 0 : i32
    %dma_start3A_299 = tpu.memref_slice %arg9[%dma_start3A_288, %dma_start3A_297, %dma_start3A_298] : memref<2x512x16xf32, #tpu.memory_space<vmem>> -> memref<1x512x16xf32, #tpu.memory_space<vmem>>
    %dma_start3A_300 = tpu.memref_squeeze %dma_start3A_299 : memref<1x512x16xf32, #tpu.memory_space<vmem>> -> memref<512x16xf32, #tpu.memory_space<vmem>>
    tpu.enqueue_dma source(%dma_start3A_300 : memref<512x16xf32, #tpu.memory_space<vmem>>) target(%dma_start3A_296 : memref<512x16xf32, #tpu.memory_space<hbm>>) target_semaphore(%arg15 : memref<!tpu.dma_semaphore, #tpu.memory_space<semaphore_mem>>)
    %dma_start3A_301 = arith.constant 0 : i32
    %dma_start3A_302 = arith.constant 0 : i32
    %dma_start3A_303 = arith.constant 0 : i32
    %dma_start3A_304 = tpu.memref_slice %arg10[%dma_start3A_301, %dma_start3A_302, %dma_start3A_303] : memref<2x512x16xf32, #tpu.memory_space<vmem>> -> memref<1x512x16xf32, #tpu.memory_space<vmem>>
    %dma_start3A_305 = tpu.memref_squeeze %dma_start3A_304 : memref<1x512x16xf32, #tpu.memory_space<vmem>> -> memref<512x16xf32, #tpu.memory_space<vmem>>
    %dma_start3A_306 = arith.constant 0 : i32
    %dma_start3A_307 = tpu.memref_slice %arg6[%add3A_287, %dma_start3A_306] : memref<320000x16xf32, #tpu.memory_space<hbm>> -> memref<512x16xf32, #tpu.memory_space<hbm>>
    %dma_start3A_308 = arith.constant 0 : i32
    %dma_start3A_309 = tpu.memref_slice %arg6[%add3A_287, %dma_start3A_308] : memref<320000x16xf32, #tpu.memory_space<hbm>> -> memref<512x16xf32, #tpu.memory_space<hbm>>
    %dma_start3A_310 = arith.constant 0 : i32
    %dma_start3A_311 = arith.constant 0 : i32
    %dma_start3A_312 = tpu.memref_slice %arg10[%dma_start3A_301, %dma_start3A_310, %dma_start3A_311] : memref<2x512x16xf32, #tpu.memory_space<vmem>> -> memref<1x512x16xf32, #tpu.memory_space<vmem>>
    %dma_start3A_313 = tpu.memref_squeeze %dma_start3A_312 : memref<1x512x16xf32, #tpu.memory_space<vmem>> -> memref<512x16xf32, #tpu.memory_space<vmem>>
    tpu.enqueue_dma source(%dma_start3A_313 : memref<512x16xf32, #tpu.memory_space<vmem>>) target(%dma_start3A_309 : memref<512x16xf32, #tpu.memory_space<hbm>>) target_semaphore(%arg17 : memref<!tpu.dma_semaphore, #tpu.memory_space<semaphore_mem>>)
    %dma_wait3A_314 = arith.constant 1 : i32
    %dma_wait3A_315 = arith.constant 0 : i32
    %dma_wait3A_316 = arith.constant 0 : i32
    %dma_wait3A_317 = tpu.memref_slice %arg9[%dma_wait3A_314, %dma_wait3A_315, %dma_wait3A_316] : memref<2x512x16xf32, #tpu.memory_space<vmem>> -> memref<1x272x16xf32, #tpu.memory_space<vmem>>
    %dma_wait3A_318 = tpu.memref_squeeze %dma_wait3A_317 : memref<1x272x16xf32, #tpu.memory_space<vmem>> -> memref<272x16xf32, #tpu.memory_space<vmem>>
    %dma_wait3A_319 = arith.constant 0 : i32
    %dma_wait3A_320 = arith.constant 0 : i32
    %dma_wait3A_321 = tpu.memref_slice %arg2[%dma_wait3A_319, %dma_wait3A_320] : memref<10000x16xf32, #tpu.memory_space<hbm>> -> memref<272x16xf32, #tpu.memory_space<hbm>>
    %dma_wait3A_322 = arith.constant 0 : i32
    %dma_wait3A_323 = arith.constant 0 : i32
    %dma_wait3A_324 = tpu.memref_slice %arg9[%dma_wait3A_314, %dma_wait3A_322, %dma_wait3A_323] : memref<2x512x16xf32, #tpu.memory_space<vmem>> -> memref<1x272x16xf32, #tpu.memory_space<vmem>>
    %dma_wait3A_325 = tpu.memref_squeeze %dma_wait3A_324 : memref<1x272x16xf32, #tpu.memory_space<vmem>> -> memref<272x16xf32, #tpu.memory_space<vmem>>
    %dma_wait3A_326 = arith.constant 0 : i32
    %dma_wait3A_327 = arith.constant 0 : i32
    %dma_wait3A_328 = tpu.memref_slice %arg2[%dma_wait3A_326, %dma_wait3A_327] : memref<10000x16xf32, #tpu.memory_space<hbm>> -> memref<272x16xf32, #tpu.memory_space<hbm>>
    tpu.wait_dma2 semaphore(%arg12 : memref<!tpu.dma_semaphore, #tpu.memory_space<semaphore_mem>>) src(%dma_wait3A_328 : memref<272x16xf32, #tpu.memory_space<hbm>>) dst(%dma_wait3A_325 : memref<272x16xf32, #tpu.memory_space<vmem>>)
    %dma_wait3A_329 = arith.constant 1 : i32
    %dma_wait3A_330 = arith.constant 0 : i32
    %dma_wait3A_331 = arith.constant 0 : i32
    %dma_wait3A_332 = tpu.memref_slice %arg10[%dma_wait3A_329, %dma_wait3A_330, %dma_wait3A_331] : memref<2x512x16xf32, #tpu.memory_space<vmem>> -> memref<1x272x16xf32, #tpu.memory_space<vmem>>
    %dma_wait3A_333 = tpu.memref_squeeze %dma_wait3A_332 : memref<1x272x16xf32, #tpu.memory_space<vmem>> -> memref<272x16xf32, #tpu.memory_space<vmem>>
    %dma_wait3A_334 = arith.constant 0 : i32
    %dma_wait3A_335 = arith.constant 0 : i32
    %dma_wait3A_336 = tpu.memref_slice %arg2[%dma_wait3A_334, %dma_wait3A_335] : memref<10000x16xf32, #tpu.memory_space<hbm>> -> memref<272x16xf32, #tpu.memory_space<hbm>>
    %dma_wait3A_337 = arith.constant 0 : i32
    %dma_wait3A_338 = arith.constant 0 : i32
    %dma_wait3A_339 = tpu.memref_slice %arg10[%dma_wait3A_329, %dma_wait3A_337, %dma_wait3A_338] : memref<2x512x16xf32, #tpu.memory_space<vmem>> -> memref<1x272x16xf32, #tpu.memory_space<vmem>>
    %dma_wait3A_340 = tpu.memref_squeeze %dma_wait3A_339 : memref<1x272x16xf32, #tpu.memory_space<vmem>> -> memref<272x16xf32, #tpu.memory_space<vmem>>
    %dma_wait3A_341 = arith.constant 0 : i32
    %dma_wait3A_342 = arith.constant 0 : i32
    %dma_wait3A_343 = tpu.memref_slice %arg2[%dma_wait3A_341, %dma_wait3A_342] : memref<10000x16xf32, #tpu.memory_space<hbm>> -> memref<272x16xf32, #tpu.memory_space<hbm>>
    tpu.wait_dma2 semaphore(%arg14 : memref<!tpu.dma_semaphore, #tpu.memory_space<semaphore_mem>>) src(%dma_wait3A_343 : memref<272x16xf32, #tpu.memory_space<hbm>>) dst(%dma_wait3A_340 : memref<272x16xf32, #tpu.memory_space<vmem>>)
    %add3A_344 = arith.constant 9728 : i32
    %add3A_345 = arith.addi %mul3A_2, %add3A_344 : i32
    %dma_start3A_346 = arith.constant 1 : i32
    %dma_start3A_347 = arith.constant 0 : i32
    %dma_start3A_348 = arith.constant 0 : i32
    %dma_start3A_349 = tpu.memref_slice %arg9[%dma_start3A_346, %dma_start3A_347, %dma_start3A_348] : memref<2x512x16xf32, #tpu.memory_space<vmem>> -> memref<1x272x16xf32, #tpu.memory_space<vmem>>
    %dma_start3A_350 = tpu.memref_squeeze %dma_start3A_349 : memref<1x272x16xf32, #tpu.memory_space<vmem>> -> memref<272x16xf32, #tpu.memory_space<vmem>>
    %dma_start3A_351 = arith.constant 0 : i32
    %dma_start3A_352 = tpu.memref_slice %arg5[%add3A_345, %dma_start3A_351] : memref<320000x16xf32, #tpu.memory_space<hbm>> -> memref<272x16xf32, #tpu.memory_space<hbm>>
    %dma_start3A_353 = arith.constant 0 : i32
    %dma_start3A_354 = tpu.memref_slice %arg5[%add3A_345, %dma_start3A_353] : memref<320000x16xf32, #tpu.memory_space<hbm>> -> memref<272x16xf32, #tpu.memory_space<hbm>>
    %dma_start3A_355 = arith.constant 0 : i32
    %dma_start3A_356 = arith.constant 0 : i32
    %dma_start3A_357 = tpu.memref_slice %arg9[%dma_start3A_346, %dma_start3A_355, %dma_start3A_356] : memref<2x512x16xf32, #tpu.memory_space<vmem>> -> memref<1x272x16xf32, #tpu.memory_space<vmem>>
    %dma_start3A_358 = tpu.memref_squeeze %dma_start3A_357 : memref<1x272x16xf32, #tpu.memory_space<vmem>> -> memref<272x16xf32, #tpu.memory_space<vmem>>
    tpu.enqueue_dma source(%dma_start3A_358 : memref<272x16xf32, #tpu.memory_space<vmem>>) target(%dma_start3A_354 : memref<272x16xf32, #tpu.memory_space<hbm>>) target_semaphore(%arg16 : memref<!tpu.dma_semaphore, #tpu.memory_space<semaphore_mem>>)
    %add3A_359 = arith.constant 9728 : i32
    %add3A_360 = arith.addi %mul3A_2, %add3A_359 : i32
    %dma_start3A_361 = arith.constant 1 : i32
    %dma_start3A_362 = arith.constant 0 : i32
    %dma_start3A_363 = arith.constant 0 : i32
    %dma_start3A_364 = tpu.memref_slice %arg10[%dma_start3A_361, %dma_start3A_362, %dma_start3A_363] : memref<2x512x16xf32, #tpu.memory_space<vmem>> -> memref<1x272x16xf32, #tpu.memory_space<vmem>>
    %dma_start3A_365 = tpu.memref_squeeze %dma_start3A_364 : memref<1x272x16xf32, #tpu.memory_space<vmem>> -> memref<272x16xf32, #tpu.memory_space<vmem>>
    %dma_start3A_366 = arith.constant 0 : i32
    %dma_start3A_367 = tpu.memref_slice %arg6[%add3A_360, %dma_start3A_366] : memref<320000x16xf32, #tpu.memory_space<hbm>> -> memref<272x16xf32, #tpu.memory_space<hbm>>
    %dma_start3A_368 = arith.constant 0 : i32
    %dma_start3A_369 = tpu.memref_slice %arg6[%add3A_360, %dma_start3A_368] : memref<320000x16xf32, #tpu.memory_space<hbm>> -> memref<272x16xf32, #tpu.memory_space<hbm>>
    %dma_start3A_370 = arith.constant 0 : i32
    %dma_start3A_371 = arith.constant 0 : i32
    %dma_start3A_372 = tpu.memref_slice %arg10[%dma_start3A_361, %dma_start3A_370, %dma_start3A_371] : memref<2x512x16xf32, #tpu.memory_space<vmem>> -> memref<1x272x16xf32, #tpu.memory_space<vmem>>
    %dma_start3A_373 = tpu.memref_squeeze %dma_start3A_372 : memref<1x272x16xf32, #tpu.memory_space<vmem>> -> memref<272x16xf32, #tpu.memory_space<vmem>>
    tpu.enqueue_dma source(%dma_start3A_373 : memref<272x16xf32, #tpu.memory_space<vmem>>) target(%dma_start3A_369 : memref<272x16xf32, #tpu.memory_space<hbm>>) target_semaphore(%arg18 : memref<!tpu.dma_semaphore, #tpu.memory_space<semaphore_mem>>)
    %dma_wait3A_374 = arith.constant 0 : i32
    %dma_wait3A_375 = arith.constant 0 : i32
    %dma_wait3A_376 = arith.constant 0 : i32
    %dma_wait3A_377 = tpu.memref_slice %arg9[%dma_wait3A_374, %dma_wait3A_375, %dma_wait3A_376] : memref<2x512x16xf32, #tpu.memory_space<vmem>> -> memref<1x512x16xf32, #tpu.memory_space<vmem>>
    %dma_wait3A_378 = tpu.memref_squeeze %dma_wait3A_377 : memref<1x512x16xf32, #tpu.memory_space<vmem>> -> memref<512x16xf32, #tpu.memory_space<vmem>>
    %dma_wait3A_379 = arith.constant 0 : i32
    %dma_wait3A_380 = tpu.memref_slice %arg5[%mul3A_2, %dma_wait3A_379] : memref<320000x16xf32, #tpu.memory_space<hbm>> -> memref<512x16xf32, #tpu.memory_space<hbm>>
    %dma_wait3A_381 = arith.constant 0 : i32
    %dma_wait3A_382 = tpu.memref_slice %arg5[%mul3A_2, %dma_wait3A_381] : memref<320000x16xf32, #tpu.memory_space<hbm>> -> memref<512x16xf32, #tpu.memory_space<hbm>>
    %dma_wait3A_383 = arith.constant 0 : i32
    %dma_wait3A_384 = arith.constant 0 : i32
    %dma_wait3A_385 = tpu.memref_slice %arg9[%dma_wait3A_374, %dma_wait3A_383, %dma_wait3A_384] : memref<2x512x16xf32, #tpu.memory_space<vmem>> -> memref<1x512x16xf32, #tpu.memory_space<vmem>>
    %dma_wait3A_386 = tpu.memref_squeeze %dma_wait3A_385 : memref<1x512x16xf32, #tpu.memory_space<vmem>> -> memref<512x16xf32, #tpu.memory_space<vmem>>
    tpu.wait_dma2 semaphore(%arg15 : memref<!tpu.dma_semaphore, #tpu.memory_space<semaphore_mem>>) src(%dma_wait3A_386 : memref<512x16xf32, #tpu.memory_space<vmem>>) dst(%dma_wait3A_382 : memref<512x16xf32, #tpu.memory_space<hbm>>)
    %dma_wait3A_387 = arith.constant 0 : i32
    %dma_wait3A_388 = arith.constant 0 : i32
    %dma_wait3A_389 = arith.constant 0 : i32
    %dma_wait3A_390 = tpu.memref_slice %arg10[%dma_wait3A_387, %dma_wait3A_388, %dma_wait3A_389] : memref<2x512x16xf32, #tpu.memory_space<vmem>> -> memref<1x512x16xf32, #tpu.memory_space<vmem>>
    %dma_wait3A_391 = tpu.memref_squeeze %dma_wait3A_390 : memref<1x512x16xf32, #tpu.memory_space<vmem>> -> memref<512x16xf32, #tpu.memory_space<vmem>>
    %dma_wait3A_392 = arith.constant 0 : i32
    %dma_wait3A_393 = tpu.memref_slice %arg6[%mul3A_2, %dma_wait3A_392] : memref<320000x16xf32, #tpu.memory_space<hbm>> -> memref<512x16xf32, #tpu.memory_space<hbm>>
    %dma_wait3A_394 = arith.constant 0 : i32
    %dma_wait3A_395 = tpu.memref_slice %arg6[%mul3A_2, %dma_wait3A_394] : memref<320000x16xf32, #tpu.memory_space<hbm>> -> memref<512x16xf32, #tpu.memory_space<hbm>>
    %dma_wait3A_396 = arith.constant 0 : i32
    %dma_wait3A_397 = arith.constant 0 : i32
    %dma_wait3A_398 = tpu.memref_slice %arg10[%dma_wait3A_387, %dma_wait3A_396, %dma_wait3A_397] : memref<2x512x16xf32, #tpu.memory_space<vmem>> -> memref<1x512x16xf32, #tpu.memory_space<vmem>>
    %dma_wait3A_399 = tpu.memref_squeeze %dma_wait3A_398 : memref<1x512x16xf32, #tpu.memory_space<vmem>> -> memref<512x16xf32, #tpu.memory_space<vmem>>
    tpu.wait_dma2 semaphore(%arg17 : memref<!tpu.dma_semaphore, #tpu.memory_space<semaphore_mem>>) src(%dma_wait3A_399 : memref<512x16xf32, #tpu.memory_space<vmem>>) dst(%dma_wait3A_395 : memref<512x16xf32, #tpu.memory_space<hbm>>)
    %dma_wait3A_400 = arith.constant 1 : i32
    %dma_wait3A_401 = arith.constant 0 : i32
    %dma_wait3A_402 = arith.constant 0 : i32
    %dma_wait3A_403 = tpu.memref_slice %arg9[%dma_wait3A_400, %dma_wait3A_401, %dma_wait3A_402] : memref<2x512x16xf32, #tpu.memory_space<vmem>> -> memref<1x272x16xf32, #tpu.memory_space<vmem>>
    %dma_wait3A_404 = tpu.memref_squeeze %dma_wait3A_403 : memref<1x272x16xf32, #tpu.memory_space<vmem>> -> memref<272x16xf32, #tpu.memory_space<vmem>>
    %dma_wait3A_405 = arith.constant 0 : i32
    %dma_wait3A_406 = tpu.memref_slice %arg5[%mul3A_2, %dma_wait3A_405] : memref<320000x16xf32, #tpu.memory_space<hbm>> -> memref<272x16xf32, #tpu.memory_space<hbm>>
    %dma_wait3A_407 = arith.constant 0 : i32
    %dma_wait3A_408 = tpu.memref_slice %arg5[%mul3A_2, %dma_wait3A_407] : memref<320000x16xf32, #tpu.memory_space<hbm>> -> memref<272x16xf32, #tpu.memory_space<hbm>>
    %dma_wait3A_409 = arith.constant 0 : i32
    %dma_wait3A_410 = arith.constant 0 : i32
    %dma_wait3A_411 = tpu.memref_slice %arg9[%dma_wait3A_400, %dma_wait3A_409, %dma_wait3A_410] : memref<2x512x16xf32, #tpu.memory_space<vmem>> -> memref<1x272x16xf32, #tpu.memory_space<vmem>>
    %dma_wait3A_412 = tpu.memref_squeeze %dma_wait3A_411 : memref<1x272x16xf32, #tpu.memory_space<vmem>> -> memref<272x16xf32, #tpu.memory_space<vmem>>
    tpu.wait_dma2 semaphore(%arg16 : memref<!tpu.dma_semaphore, #tpu.memory_space<semaphore_mem>>) src(%dma_wait3A_412 : memref<272x16xf32, #tpu.memory_space<vmem>>) dst(%dma_wait3A_408 : memref<272x16xf32, #tpu.memory_space<hbm>>)
    %dma_wait3A_413 = arith.constant 1 : i32
    %dma_wait3A_414 = arith.constant 0 : i32
    %dma_wait3A_415 = arith.constant 0 : i32
    %dma_wait3A_416 = tpu.memref_slice %arg10[%dma_wait3A_413, %dma_wait3A_414, %dma_wait3A_415] : memref<2x512x16xf32, #tpu.memory_space<vmem>> -> memref<1x272x16xf32, #tpu.memory_space<vmem>>
    %dma_wait3A_417 = tpu.memref_squeeze %dma_wait3A_416 : memref<1x272x16xf32, #tpu.memory_space<vmem>> -> memref<272x16xf32, #tpu.memory_space<vmem>>
    %dma_wait3A_418 = arith.constant 0 : i32
    %dma_wait3A_419 = tpu.memref_slice %arg6[%mul3A_2, %dma_wait3A_418] : memref<320000x16xf32, #tpu.memory_space<hbm>> -> memref<272x16xf32, #tpu.memory_space<hbm>>
    %dma_wait3A_420 = arith.constant 0 : i32
    %dma_wait3A_421 = tpu.memref_slice %arg6[%mul3A_2, %dma_wait3A_420] : memref<320000x16xf32, #tpu.memory_space<hbm>> -> memref<272x16xf32, #tpu.memory_space<hbm>>
    %dma_wait3A_422 = arith.constant 0 : i32
    %dma_wait3A_423 = arith.constant 0 : i32
    %dma_wait3A_424 = tpu.memref_slice %arg10[%dma_wait3A_413, %dma_wait3A_422, %dma_wait3A_423] : memref<2x512x16xf32, #tpu.memory_space<vmem>> -> memref<1x272x16xf32, #tpu.memory_space<vmem>>
    %dma_wait3A_425 = tpu.memref_squeeze %dma_wait3A_424 : memref<1x272x16xf32, #tpu.memory_space<vmem>> -> memref<272x16xf32, #tpu.memory_space<vmem>>
    tpu.wait_dma2 semaphore(%arg18 : memref<!tpu.dma_semaphore, #tpu.memory_space<semaphore_mem>>) src(%dma_wait3A_425 : memref<272x16xf32, #tpu.memory_space<vmem>>) dst(%dma_wait3A_421 : memref<272x16xf32, #tpu.memory_space<hbm>>)
    return
  }
}

</mosaic_0001>

<sc_bundles>
// kernel: _sc_gather.3.cloned.1.call-start
scs
__scs_entry_jumppad:
0x0: {  	(pc) =	sbr.rel $0x88, $3  }
0x1: {  	(tag) =	ssettag $0x0;
	lr =	simm.s32 $0x1  }
0x2: {  	[smem:$0x3F9E] =	sst lr;
	_ =	strace $0xD0000000  }
0x3: {  	_ = 	snop  }
0x4: {  	_ = 	snop  }
0x5: {  	_ = 	snop  }
0x6: {  	_ = 	snop  }
0x7: {  	_ = 	snop  }
__scs_overlays_trampoline_lowered:
0x8: {  	[smem:$0x3FAD] =	sst s0  }
0x9: {  	[smem:$0x3FAE] =	sst s1  }
0xa: {  	[smem:$0x3FAF] =	sst s2  }
0xb: {  	[smem:$0x3FB0] =	sst s3  }
0xc: {  	[smem:$0x3FB1] =	sst s4  }
0xd: {  	[smem:$0x3FB2] =	sst s5  }
0xe: {  	[smem:$0x3FB3] =	sst s6  }
0xf: {  	[smem:$0x3FB4] =	sst s7  }
0x10: {  	[smem:$0x3FB5] =	sst s8  }
0x11: {  	[smem:$0x3FB6] =	sst s9;
	s0 =	simm.s32 @!p0 $0x0  }
0x12: {  	s1 =	sld [smem:$0x3F9C];
	s0 =	simm.s32 @p0 $0x1  }
0x13: {  	[smem:$0x3FB7] =	sst s0;
	s0 =	simm.s32 @!p1 $0x0  }
0x14: {  	s2 =	sld [smem:$0x3F9B];
	s0 =	simm.s32 @p1 $0x1  }
0x15: {  	[smem:$0x3FB8] =	sst s0;
	s0 =	simm.s32 @!p2 $0x0  }
0x16: {  	s3 =	sld [smem:$0x3FDB];
	s0 =	simm.s32 @p2 $0x1  }
0x17: {  	s4 =	simm.s32 $0x1BF5;
	[smem:$0x3FBA] =	sst s0  }
0x18: {  	s0 =	sld [smem:$0x3F9D];
	_ =	swait.ge [sflag:s4], $0x0  }
0x19: {  	s7 =	sld [smem:$0x3F9E]  }
0x1a: {  	s8 =	sadd.s32 $0xFFFFE003, lr  }
0x1b: {  	s9 =	sadd.s32 $0xFFFFFEF7, lr;
	s5 =	simm.s32 $0xFFFFFFFF;
	p2 =	slt.u32 s8, $0xFFFFF086  }
0x1c: {  	p1 =	slt.u32 s9, $0xF7A;
	s5 =	simm.s32 @!p2 $0x0  }
0x1d: {  	s5 =	simm.s32 @p1 $0x1;
	p0 =	seq.s32 s7, s2  }
0x1e: {  	s7 =	smul.u32 @!p0 $0xF7A, s2;
	p2 =	seq.s32 @!p0 s5, $0x0  }
0x1f: {  	s9 =	smul.u32 $0xF7A, s1;
	s8 =	simm.s32 @!p0 $0x1BF5;
	p2 =	por !p2, p0  }
0x20: {  	[sflag:s8] =	ssyncset.s32 @!p0 $0xFFFFF086;
	s6 =	sadd.s32 @!p0 s3, s7;
	s7 =	simm.s32 @!p0 $0x108  }
0x21: {  	s3 =	sadd.s32 s3, s9;
	s6 =	sadd.s32 @!p0 $0x88, s6;
	s7 =	simm.s32 @p2 $0x1082  }
0x22: {  	[simem:s7], [sflag:s8] =	dma.local @!p0 [hbm:s6], $0xF7A  }
0x23: {  	s9 =	sor.u32 $0xD0000000, s2;
	s6 =	simm.s32 $0x108;
	_ =	swait.ge @!p0 [sflag:s8], $0x0  }
0x24: {  	s3 =	sadd.s32 $0x88, s3;
	s6 =	simm.s32 @!p1 $0x1082;
	[sflag:s4] =	ssyncset.s32 $0xFFFFF086  }
0x25: {  	[simem:s6], [sflag:s4] =	dma.local [hbm:s3], $0xF7A  }
0x26: {  	[smem:$0x3F9E] =	sst s1;
	(tag) =	ssettag s2;
	_ =	strace s9  }
0x27: {  	s1 =	sld [smem:$0x3FAE]  }
0x28: {  	s2 =	sld [smem:$0x3FAF]  }
0x29: {  	s4 =	sld [smem:$0x3FB1]  }
0x2a: {  	p0 =	seq.s32 s5, $0x0;
	s5 =	sld [smem:$0x3FB2]  }
0x2b: {  	s6 =	sld [smem:$0x3FB3]  }
0x2c: {  	s7 =	sld [smem:$0x3FB4]  }
0x2d: {  	s3 =	simm.s32 $0x108;
	s8 =	sld [smem:$0x3FB5]  }
0x2e: {  	s3 =	simm.s32 @!p0 $0x1082;
	s9 =	sld [smem:$0x3FB6]  }
0x2f: {  	lr =	sadd.s32 s0, s3;
	s0 =	sld [smem:$0x3FAD]  }
0x30: {  	s3 =	sld [smem:$0x3FB0]  }
0x31: {  	[smem:$0x3FB9] =	sst s10  }
0x32: {  	s10 =	sld [smem:$0x3FB7];
	_ =	sdelay $0x3  }
0x33: {  	p0 =	seq.s32 s10, $0x1;
	s10 =	sld [smem:$0x3FB9];
	_ =	sdelay $0x3  }
0x34: {  	[smem:$0x3FB9] =	sst s10  }
0x35: {  	s10 =	sld [smem:$0x3FB8];
	_ =	sdelay $0x3  }
0x36: {  	p1 =	seq.s32 s10, $0x1;
	s10 =	sld [smem:$0x3FB9];
	_ =	sdelay $0x3  }
0x37: {  	[smem:$0x3FB9] =	sst s10  }
0x38: {  	s10 =	sld [smem:$0x3FBA]  }
0x39: {  	_ = 	snop;
	(pc) =	sbr.ind lr, $3  }
0x3a: {  	_ = 	snop  }
0x3b: {  	_ = 	snop  }
0x3c: {  	p2 =	seq.s32 s10, $0x1;
	s10 =	sld [smem:$0x3FB9]  }
0x3d: {  	_ =	shalt  }
0x3e: {  	_ =	shalt  }
0x3f: {  	_ =	shalt  }
0x40: {  	_ =	shalt  }
0x41: {  	_ =	shalt  }
0x42: {  	_ =	shalt  }
0x43: {  	_ =	shalt  }
0x44: {  	_ =	shalt  }
0x45: {  	_ =	shalt  }
0x46: {  	_ =	shalt  }
0x47: {  	_ =	shalt  }
0x48: {  	_ =	shalt  }
0x49: {  	_ =	shalt  }
0x4a: {  	_ =	shalt  }
0x4b: {  	_ =	shalt  }
0x4c: {  	_ =	shalt  }
0x4d: {  	_ =	shalt  }
0x4e: {  	_ =	shalt  }
0x4f: {  	_ =	shalt  }
0x50: {  	_ =	shalt  }
0x51: {  	_ =	shalt  }
0x52: {  	_ =	shalt  }
0x53: {  	_ =	shalt  }
0x54: {  	_ =	shalt  }
0x55: {  	_ =	shalt  }
0x56: {  	_ =	shalt  }
0x57: {  	_ =	shalt  }
0x58: {  	_ =	shalt  }
0x59: {  	_ =	shalt  }
0x5a: {  	_ =	shalt  }
0x5b: {  	_ =	shalt  }
0x5c: {  	_ =	shalt  }
0x5d: {  	_ =	shalt  }
0x5e: {  	_ =	shalt  }
0x5f: {  	_ =	shalt  }
0x60: {  	_ =	shalt  }
0x61: {  	_ =	shalt  }
0x62: {  	_ =	shalt  }
0x63: {  	_ =	shalt  }
0x64: {  	_ =	shalt  }
0x65: {  	_ =	shalt  }
0x66: {  	_ =	shalt  }
0x67: {  	_ =	shalt  }
0x68: {  	_ =	shalt  }
0x69: {  	_ =	shalt  }
0x6a: {  	_ =	shalt  }
0x6b: {  	_ =	shalt  }
0x6c: {  	_ =	shalt  }
0x6d: {  	_ =	shalt  }
0x6e: {  	_ =	shalt  }
0x6f: {  	_ =	shalt  }
0x70: {  	_ =	shalt  }
0x71: {  	_ =	shalt  }
0x72: {  	_ =	shalt  }
0x73: {  	_ =	shalt  }
0x74: {  	_ =	shalt  }
0x75: {  	_ =	shalt  }
0x76: {  	_ =	shalt  }
0x77: {  	_ =	shalt  }
0x78: {  	_ =	shalt  }
0x79: {  	_ =	shalt  }
0x7a: {  	_ =	shalt  }
0x7b: {  	_ =	shalt  }
0x7c: {  	_ =	shalt  }
0x7d: {  	_ =	shalt  }
0x7e: {  	_ =	shalt  }
0x7f: {  	_ =	shalt  }
0x80: {  	_ =	shalt  }
0x81: {  	_ =	shalt  }
0x82: {  	_ =	shalt  }
0x83: {  	_ =	shalt  }
0x84: {  	_ =	shalt  }
0x85: {  	_ =	shalt  }
0x86: {  	_ =	shalt  }
0x87: {  	_ =	shalt  }
.Lfunc_end0:
.L_simem_size_0:
called_computation_lowered:
.L_overlay_start_0:
0x88: {  	s2 =	sld [smem:$0x3FD9]  }
0x89: {  	s3 =	sld [smem:$0x3FFE];
	_ =	sdelay $0x1  }
0x8a: {  	s1 =	srdreg.scid  }
0x8b: {  	s0 =	sand.u32 $0x1, s1  }
0x8c: {  	s14 =	sshll.u32 s0, $0xA;
	s2 =	sadd.s32 s3, s2  }
0x8d: {  	s2 =	sadd.s32 s2, s14  }
0x8e: {  	[smem:$0x3FC5] =	sst s2  }
0x8f: {  	_ = 	snop  }
0x90: {  	s2 =	sld [smem:$0x3FD0];
	_ =	sdelay $0x1  }
0x91: {  	s15 =	sld [smem:$0x3FC8]  }
0x92: {  	s5 =	simm.s32 $0xA;
	s6 =	simm.s32 $0x10;
	s4 =	sld [smem:$0x3FC7]  }
0x93: {  	[smem:s6], [sflag:s5] =	dma.local [hbm:s2], $0x1  }
0x94: {  	_ =	swait.eq [sflag:s5], $0x1  }
0x95: {  	[sflag:s5] =	ssyncset.done $0x0  }
0x96: {  	s16 =	sld [smem:$0x10];
	[sflag:s5] =	ssyncadd.s32 $0xFFFFFFFF  }
0x97: {  	s17 =	sld [smem:$0x11];
	(tm) =	ssettm $0x1  }
0x98: {  	s18 =	sld [smem:$0x3FFB];
	_ =	sdelay $0x3  }
0x99: {  	_ =	strace s18  }
0x9a: {  	s6 =	sld [smem:$0x3FFC];
	_ =	sdelay $0x3  }
0x9b: {  	_ =	strace s6  }
0x9c: {  	s6 =	sld [smem:$0x3FFD];
	_ =	sdelay $0x3  }
0x9d: {  	_ =	strace s6  }
0x9e: {  	_ =	strace $0x8FFFFFFF  }
0x9f: {  	s19 =	sld [smem:$0x3FDB];
	_ =	sdelay $0x1  }
0xa0: {  	s7 =	simm.s32 $_scs_section_size  }
0xa1: {  	s8 =	simm.s32 $_size__tile_overlayer_lowered;
	s9 =	simm.s32 $_tile_overlayer_lowered  }
0xa2: {  	s22 =	simm.s32 $0x1BFF;
	s21 =	sshll.u32 s9, $0x1;
	s6 =	sadd.s32 s7, s19  }
0xa3: {  	s10 =	simm.s32 $0x0;
	s20 =	sshll.u32 s8, $0x1;
	s8 =	sadd.s32 s21, s6  }
0xa4: {  	[timem:s10], [sflag:s22] =	dma.local [hbm:s8], s20  }
0xa5: {  	_ =	swait.ge [sflag:s22], s20  }
0xa6: {  	s7 =	ssub.s32 $0x0, s20;
	[sflag:s22] =	ssyncset.done $0x0  }
0xa7: {  	[sflag:s22] =	ssyncadd.s32 s7;
	_ =	sdelay $0x1  }
0xa8: {  	s23 =	simm.s32 $0x1B8B  }
0xa9: {  	_ =	swait.ge [sflag:s23], $0x1  }
0xaa: {  	[sflag:s23] =	ssyncset.done $0x0  }
0xab: {  	s25 =	simm.s32 $0x1B8E;
	s24 =	sld [smem:$0x3FFE];
	[sflag:s23] =	ssyncadd.s32 $0xFFFFFFFF  }
0xac: {  	s26 =	simm.s32 $execute0_lowered;
	[smem:$0x3FD2] =	sst s25  }
0xad: {  	s8 =	sshll.u32 s26, $0x1;
	_ =	strace $0x80000046;
	[dreg:$0x1] =	wrdreg $0xFFFFFFFF  }
0xae: {  	s28 =	simm.s32 $_size_execute0_lowered;
	s6 =	sadd.s32 s6, s8;
	[dreg:$0x0] =	wrdreg $0x0  }
0xaf: {  	s8 =	sshll.u32 s28, $0x1;
	[dreg:$0x2] =	wrdreg s6  }
0xb0: {  	[dreg:$0x3] =	wrdreg s8  }
0xb1: {  	[dreg:$0x4] =	wrdreg $0xC0  }
0xb2: {  	_ =	task [dreg:s10], $0x5FFFF  }
0xb3: {  	[dreg:$0x1] =	wrdreg $0xFFFFFFFF  }
0xb4: {  	[dreg:$0x0] =	wrdreg $0x60  }
0xb5: {  	[dreg:$0x2] =	wrdreg s24  }
0xb6: {  	[dreg:$0x3] =	wrdreg s15  }
0xb7: {  	[dreg:$0x4] =	wrdreg s4  }
0xb8: {  	[dreg:$0x5] =	wrdreg s16  }
0xb9: {  	[dreg:$0x6] =	wrdreg s17  }
0xba: {  	[dreg:$0x7] =	wrdreg $0x9  }
0xbb: {  	_ =	task.clear_ibuf [dreg:s10], $0x8FFFF;
	_ =	strace $0x90000046  }
0xbc: {  	s29 =	simm.s32 $0x9;
	_ =	strace $0x80000048  }
0xbd: {  	_ =	swait.ge [sflag:s29], $0x1  }
0xbe: {  	[sflag:s29] =	ssyncadd.s32 $0xFFFFFFFF  }
0xbf: {  	_ =	strace $0x90000048  }
0xc0: {  	_ =	sfence  }
0xc1: {  	s30 =	sld [smem:$0x0];
	_ =	sdelay $0x2  }
0xc2: {  	s31 =	sshll.u32 s1, $0xD;
	s1 =	sshrl.u32 s1, $0x2  }
0xc3: {  	s3 =	sand.u32 $0x4000, s31;
	s1 =	sadd.s32 s1, s30  }
0xc4: {  	s0 =	sor.u32 s3, s0;
	s1 =	sshll.u32 s1, $0x11  }
0xc5: {  	s0 =	sor.u32 s1, s0  }
0xc6: {  	s0 =	sadd.s32 $0x8F2B, s0  }
0xc7: {  	[sflag:s0] =	ssyncadd.remote.s32 $0x1  }
0xc8: {  	_ =	sfence.sel $0xFFFF  }
0xc9: {  	[dreg:$0x0] =	wrdreg $0xFFFFFFFF;
	(pc) =	sbr.abs _section_cstart, $3  }
0xca: {  	[dreg:$0x1] =	wrdreg $0xFFFFFFFF  }
0xcb: {  	_ =	task.clear_ibuf [dreg:s10], $0x2FFFF;
	_ =	strace $0x9FFFFFFF  }
0xcc: {  	(tm) =	ssettm $0x7FFFFFFF  }
0xcd: {  	_ =	shalt  }
tec
execute0_lowered:
.L_overlay_start_1:
0x0: {  	(tag) =	ssettag $0x1  }
0x1: {  	s0 =	rddreg [dreg:$0x0]  }
0x2: {  	s1 =	rddreg [dreg:$0x1];
	s2 =	srdreg.scid  }
0x3: {  	s6 =	rddreg [dreg:$0x2];
	s11 =	stileid.u32  }
0x4: {  	s3 =	rddreg [dreg:$0x4];
	s25 =	simm.s32 $0x8620;
	s26 =	simm.s32 $0xC620  }
0x5: {  	s28 =	simm.s32 $0x6E20;
	s29 =	simm.s32 $0xAE20;
	s30 =	simm.s32 $0x7620  }
0x6: {  	s31 =	simm.s32 $0xB620;
	s7 =	sand.u32 $0x1, s2;
	s2 =	rddreg [dreg:$0x3]  }
0x7: {  	s20 =	smul.u32 $0x4E20, s11;
	s4 =	sshll.u32 s7, $0x4;
	s9 =	ssub.s32 $0x2, s7  }
0x8: {  	s17 =	smul.u32 $0x4E200, s7;
	s5 =	sor.u32 s11, s4;
	s4 =	simm.s32 $0x0  }
0x9: {  	s12 =	sshrl.u32 s9, $0x1;
	s8 =	smul.u32 $0x2710, s5;
	[smem:$0x7FF] =	sst s4  }
0xa: {  	s10 =	smul.u32 $0x27100, s5;
	s5 =	sadd.s32 $0xA00, s0;
	s24 =	sadd.s32 s20, s17  }
0xb: {  	s0 =	ssub.s32 s9, s12;
	_ =	strace $0x80000047;
	[dreg:$0x11] =	wrdreg s24  }
0xc: {  	s20 =	simm.s32 $0x8E20;
	s17 =	simm.s32 $0x1;
	[dreg:$0x6] =	wrdreg s25  }
0xd: {  	s0 =	smax.u32 s0, $0x1;
	s24 =	simm.s32 $0x9E20;
	[dreg:$0x7] =	wrdreg s26  }
0xe: {  	s25 =	simm.s32 $0x6620;
	s26 =	simm.s32 $0xA620;
	s8 =	sshrl.u32 s8, $0x3  }
0xf: {  	s13 =	sshrl.u32 s10, $0x3;
	[dreg:$0x10] =	wrdreg s0;
	s1 =	sadd.s32 s1, s8  }
0x10: {  	s14 =	sadd.s32 s6, s8;
	s15 =	sadd.s32 $0x4400, s13;
	[dreg:$0x8] =	wrdreg s1  }
0x11: {  	s0 =	simm.s32 $0xBE20;
	[dreg:$0x9] =	wrdreg s14;
	s16 =	sadd.s32 s2, s15  }
0x12: {  	s18 =	sadd.s32 $0x4800, s13;
	s1 =	sadd.s32 s3, s15;
	[dreg:$0xa] =	wrdreg s16  }
0x13: {  	s19 =	sadd.s32 $0x4C00, s13;
	s21 =	sadd.s32 s2, s18;
	[dreg:$0xb] =	wrdreg s1  }
0x14: {  	s6 =	sadd.s32 s3, s18;
	s22 =	sadd.s32 s2, s19;
	[dreg:$0xc] =	wrdreg s21  }
0x15: {  	s23 =	sadd.s32 s3, s19;
	s18 =	simm.s32 $0x80;
	[dreg:$0xd] =	wrdreg s6  }
0x16: {  	s19 =	simm.s32 $0x4E20;
	s14 =	simm.s32 $0x0;
	[dreg:$0xe] =	wrdreg s22  }
0x17: {  	[dreg:$0xf] =	wrdreg s23;
	s21 =	simm.s32 $0x5620;
	s22 =	simm.s32 $0x9620  }
0x18: {  	s23 =	simm.s32 $0x5E20;
	s1 =	simm.s32 $0x7E20;
	s6 =	simm.s32 $0x3  }
.LBB2_1:
0x19: {  	s7 =	rddreg [dreg:$0x8];
	s8 =	simm.s32 $0x9  }
0x1a: {  	[tilespmem:s4], [sflag:$0x9] =	stream.linear.gather [hbm4b:s7+s4], $0x2710, $0x38;
	[tilespmem:$0xCE20] =	vst v63  }
0x1b: {  	_ =	swait.ge [sflag:s8], $0x2710  }
0x1c: {  	[sflag:s8] =	ssyncset.done $0x0  }
0x1d: {  	s9 =	simm.s32 $0x2710;
	s11 =	rddreg [dreg:$0x9];
	[sflag:s8] =	ssyncadd.s32 $0xFFFFD8F0  }
0x1e: {  	[tilespmem:s9], [sflag:$0x9] =	stream.linear.gather [hbm4b:s11+s4], $0x2710, $0x38;
	[tilespmem:$0xCE20] =	vst v63  }
0x1f: {  	_ =	swait.ge [sflag:s8], $0x2710  }
0x20: {  	p0 =	por $0x1, $0x1;
	[sflag:s8] =	ssyncset.done $0x0  }
0x21: {  	s7 =	simm.s32 @!p0 $0x5;
	[sflag:s8] =	ssyncadd.s32 $0xFFFFD8F0  }
0x22: {  	_ =	swait.ge @!p0 [sflag:s7], $0x2000  }
0x23: {  	[sflag:s7] =	ssyncset.done @!p0 $0x0  }
0x24: {  	[sflag:s7] =	ssyncadd.s32 @!p0 $0xFFFFE000;
	s7 =	simm.s32 @!p0 $0x7  }
0x25: {  	_ =	swait.ge @!p0 [sflag:s7], $0x2000  }
0x26: {  	[sflag:s7] =	ssyncset.done @!p0 $0x0  }
0x27: {  	s12 =	simm.s32 $0x0;
	[sflag:s7] =	ssyncadd.s32 @!p0 $0xFFFFE000  }
0x28: {  	[tilespmem:s19], [sflag:$0x1] =	stream.indirect.gather [hbm4b:s5+s18], $0x10, s12, s18, $0xb8;
	[tilespmem:$0xCE20] =	vst v63  }
0x29: {  	s13 =	simm.s32 $0x2710  }
0x2a: {  	[tilespmem:s20], [sflag:$0x3] =	stream.indirect.gather [hbm4b:s5+s18], $0x10, s13, s18, $0xb8;
	[tilespmem:$0xCE20] =	vst v63  }
0x2b: {  	s15 =	simm.s32 $0x80  }
0x2c: {  	[tilespmem:s21], [sflag:$0x1] =	stream.indirect.gather [hbm4b:s5+s18], $0x10, s15, s18, $0xb8;
	[tilespmem:$0xCE20] =	vst v63  }
0x2d: {  	s16 =	simm.s32 $0x2790  }
0x2e: {  	[tilespmem:s22], [sflag:$0x3] =	stream.indirect.gather [hbm4b:s5+s18], $0x10, s16, s18, $0xb8;
	[tilespmem:$0xCE20] =	vst v63  }
0x2f: {  	s8 =	simm.s32 $0x100  }
0x30: {  	[tilespmem:s23], [sflag:$0x1] =	stream.indirect.gather [hbm4b:s5+s18], $0x10, s8, s18, $0xb8;
	[tilespmem:$0xCE20] =	vst v63  }
0x31: {  	s9 =	simm.s32 $0x2810  }
0x32: {  	[tilespmem:s24], [sflag:$0x3] =	stream.indirect.gather [hbm4b:s5+s18], $0x10, s9, s18, $0xb8;
	[tilespmem:$0xCE20] =	vst v63  }
0x33: {  	s10 =	simm.s32 $0x180  }
0x34: {  	[tilespmem:s25], [sflag:$0x1] =	stream.indirect.gather [hbm4b:s5+s18], $0x10, s10, s18, $0xb8;
	[tilespmem:$0xCE20] =	vst v63  }
0x35: {  	s11 =	simm.s32 $0x2890;
	s8 =	simm.s32 @!p0 $0x2  }
0x36: {  	[tilespmem:s26], [sflag:$0x3] =	stream.indirect.gather [hbm4b:s5+s18], $0x10, s11, s18, $0xb8;
	[tilespmem:$0xCE20] =	vst v63  }
0x37: {  	_ =	swait.ge @!p0 [sflag:s8], $0x2000  }
0x38: {  	[sflag:s8] =	ssyncset.done @!p0 $0x0  }
0x39: {  	s11 =	rddreg [dreg:$0x11];
	[sflag:s8] =	ssyncadd.s32 @!p0 $0xFFFFE000;
	s8 =	simm.s32 @!p0 $0x4  }
0x3a: {  	s7 =	sadd.s32 @!p0 $0x1FFFFC00, s11;
	_ =	swait.ge @!p0 [sflag:s8], $0x2000  }
0x3b: {  	s10 =	simm.s32 @!p0 $0x6E20;
	s7 =	sand.u32 @!p0 $0x1FFFFFE0, s7;
	[sflag:s8] =	ssyncset.done @!p0 $0x0  }
0x3c: {  	s9 =	sadd.s32 @!p0 s2, s7;
	[sflag:s8] =	ssyncadd.s32 @!p0 $0xFFFFE000;
	s8 =	simm.s32 @!p0 $0x0  }
0x3d: {  	[hbm4b:s9+s8] =	stream.linear.scatter @!p0 [tilespmem:s10], [sflag:$0x6], $0x2000, $0x38;
	[tilespmem:$0xCE20] =	vst v63  }
0x3e: {  	s7 =	sadd.s32 @!p0 s3, s7;
	s9 =	simm.s32 @!p0 $0xAE20;
	s10 =	simm.s32 @!p0 $0x6  }
0x3f: {  	[hbm4b:s7+s8] =	stream.linear.scatter @!p0 [tilespmem:s9], [sflag:$0x8], $0x2000, $0x38;
	[tilespmem:$0xCE20] =	vst v63  }
0x40: {  	_ =	swait.ge @!p0 [sflag:s10], $0x2000  }
0x41: {  	[sflag:s10] =	ssyncset.done @!p0 $0x0  }
0x42: {  	s7 =	simm.s32 @!p0 $0x8;
	[sflag:s10] =	ssyncadd.s32 @!p0 $0xFFFFE000  }
0x43: {  	_ =	swait.ge @!p0 [sflag:s7], $0x2000  }
0x44: {  	[sflag:s7] =	ssyncset.done @!p0 $0x0  }
0x45: {  	s12 =	simm.s32 $0x200;
	[sflag:s7] =	ssyncadd.s32 @!p0 $0xFFFFE000  }
0x46: {  	[tilespmem:s28], [sflag:$0x2] =	stream.indirect.gather [hbm4b:s5+s18], $0x10, s12, s18, $0xb8;
	[tilespmem:$0xCE20] =	vst v63  }
0x47: {  	s13 =	simm.s32 $0x2910  }
0x48: {  	[tilespmem:s29], [sflag:$0x4] =	stream.indirect.gather [hbm4b:s5+s18], $0x10, s13, s18, $0xb8;
	[tilespmem:$0xCE20] =	vst v63  }
0x49: {  	s15 =	simm.s32 $0x280  }
0x4a: {  	[tilespmem:s30], [sflag:$0x2] =	stream.indirect.gather [hbm4b:s5+s18], $0x10, s15, s18, $0xb8;
	[tilespmem:$0xCE20] =	vst v63  }
0x4b: {  	s16 =	simm.s32 $0x2990  }
0x4c: {  	[tilespmem:s31], [sflag:$0x4] =	stream.indirect.gather [hbm4b:s5+s18], $0x10, s16, s18, $0xb8;
	[tilespmem:$0xCE20] =	vst v63  }
0x4d: {  	s8 =	simm.s32 $0x300  }
0x4e: {  	[tilespmem:s1], [sflag:$0x2] =	stream.indirect.gather [hbm4b:s5+s18], $0x10, s8, s18, $0xb8;
	[tilespmem:$0xCE20] =	vst v63  }
0x4f: {  	s9 =	simm.s32 $0x2A10  }
0x50: {  	[tilespmem:s0], [sflag:$0x4] =	stream.indirect.gather [hbm4b:s5+s18], $0x10, s9, s18, $0xb8;
	[tilespmem:$0xCE20] =	vst v63  }
0x51: {  	s10 =	rddreg [dreg:$0x6];
	s12 =	simm.s32 $0x380  }
0x52: {  	[tilespmem:s10], [sflag:$0x2] =	stream.indirect.gather [hbm4b:s5+s18], $0x10, s12, s18, $0xb8;
	[tilespmem:$0xCE20] =	vst v63  }
0x53: {  	s13 =	rddreg [dreg:$0x7];
	s15 =	simm.s32 $0x2A90  }
0x54: {  	[tilespmem:s13], [sflag:$0x4] =	stream.indirect.gather [hbm4b:s5+s18], $0x10, s15, s18, $0xb8;
	[tilespmem:$0xCE20] =	vst v63  }
0x55: {  	_ =	swait.ge [sflag:s17], $0x2000  }
0x56: {  	[sflag:s17] =	ssyncset.done $0x0  }
0x57: {  	[sflag:s17] =	ssyncadd.s32 $0xFFFFE000  }
0x58: {  	_ =	swait.ge [sflag:s6], $0x2000  }
0x59: {  	s7 =	simm.s32 $0x2000;
	[sflag:s6] =	ssyncset.done $0x0  }
0x5a: {  	p0 =	por $0x0, $0x0;
	s16 =	sadd.s32 s11, s2;
	[sflag:s6] =	ssyncadd.s32 $0xFFFFE000  }
0x5b: {  	[hbm4b:s16+s4] =	stream.linear.scatter [tilespmem:s19], [sflag:$0x5], $0x2000, $0x38;
	[tilespmem:$0xCE20] =	vst v63  }
0x5c: {  	s9 =	sadd.s32 s11, s3;
	s13 =	sadd.s32 $0x800, s11;
	s16 =	simm.s32 $0x1000  }
.LBB2_2:
0x5d: {  	s11 =	simm.s32 @!p0 $0x5;
	s10 =	sadd.s32 @!p0 $0x1FFFFC00, s13  }
0x5e: {  	[hbm4b:s9+s4] =	stream.linear.scatter [tilespmem:s20], [sflag:$0x7], $0x2000, $0x38;
	[tilespmem:$0xCE20] =	vst v63  }
0x5f: {  	_ =	swait.ge @!p0 [sflag:s11], $0x2000;
	s9 =	sand.u32 @!p0 $0x1FFFFFE0, s10  }
0x60: {  	[sflag:s11] =	ssyncset.done @!p0 $0x0;
	s15 =	sadd.s32 @!p0 s2, s9  }
0x61: {  	s10 =	sadd.s32 @!p0 s3, s9;
	s9 =	simm.s32 @!p0 $0x7;
	[sflag:s11] =	ssyncadd.s32 @!p0 $0xFFFFE000  }
0x62: {  	_ =	swait.ge @!p0 [sflag:s9], $0x2000  }
0x63: {  	[sflag:s9] =	ssyncset.done @!p0 $0x0  }
0x64: {  	s12 =	smov.u32 s7;
	[sflag:s9] =	ssyncadd.s32 @!p0 $0xFFFFE000;
	s9 =	sshra.s32 s16, $0x2  }
0x65: {  	[tilespmem:s19], [sflag:$0x1] =	stream.indirect.gather [hbm4b:s5+s18], $0x10, s9, s18, $0xb8;
	[tilespmem:$0xCE20] =	vst v63  }
0x66: {  	s16 =	smov.u32 s12;
	s12 =	sadd.s32 $0x2710, s9  }
0x67: {  	[tilespmem:s20], [sflag:$0x3] =	stream.indirect.gather [hbm4b:s5+s18], $0x10, s12, s18, $0xb8;
	[tilespmem:$0xCE20] =	vst v63  }
0x68: {  	s12 =	sadd.s32 $0x80, s9  }
0x69: {  	[tilespmem:s21], [sflag:$0x1] =	stream.indirect.gather [hbm4b:s5+s18], $0x10, s12, s18, $0xb8;
	[tilespmem:$0xCE20] =	vst v63  }
0x6a: {  	s12 =	sadd.s32 $0x2790, s9  }
0x6b: {  	[tilespmem:s22], [sflag:$0x3] =	stream.indirect.gather [hbm4b:s5+s18], $0x10, s12, s18, $0xb8;
	[tilespmem:$0xCE20] =	vst v63  }
0x6c: {  	s12 =	sadd.s32 $0x100, s9  }
0x6d: {  	[tilespmem:s23], [sflag:$0x1] =	stream.indirect.gather [hbm4b:s5+s18], $0x10, s12, s18, $0xb8;
	[tilespmem:$0xCE20] =	vst v63  }
0x6e: {  	s12 =	sadd.s32 $0x2810, s9  }
0x6f: {  	[tilespmem:s24], [sflag:$0x3] =	stream.indirect.gather [hbm4b:s5+s18], $0x10, s12, s18, $0xb8;
	[tilespmem:$0xCE20] =	vst v63  }
0x70: {  	s12 =	sadd.s32 $0x180, s9  }
0x71: {  	[tilespmem:s25], [sflag:$0x1] =	stream.indirect.gather [hbm4b:s5+s18], $0x10, s12, s18, $0xb8;
	[tilespmem:$0xCE20] =	vst v63  }
0x72: {  	s11 =	sadd.s32 $0x2890, s9;
	s12 =	simm.s32 @!p0 $0x2  }
0x73: {  	[tilespmem:s26], [sflag:$0x3] =	stream.indirect.gather [hbm4b:s5+s18], $0x10, s11, s18, $0xb8;
	[tilespmem:$0xCE20] =	vst v63  }
0x74: {  	_ =	swait.ge @!p0 [sflag:s12], $0x2000  }
0x75: {  	[sflag:s12] =	ssyncset.done @!p0 $0x0  }
0x76: {  	s11 =	simm.s32 @!p0 $0x4;
	[sflag:s12] =	ssyncadd.s32 @!p0 $0xFFFFE000  }
0x77: {  	_ =	swait.ge @!p0 [sflag:s11], $0x2000  }
0x78: {  	[sflag:s11] =	ssyncset.done @!p0 $0x0  }
0x79: {  	s12 =	simm.s32 @!p0 $0x6E20;
	[sflag:s11] =	ssyncadd.s32 @!p0 $0xFFFFE000;
	s11 =	simm.s32 @!p0 $0x0  }
0x7a: {  	[hbm4b:s15+s11] =	stream.linear.scatter @!p0 [tilespmem:s12], [sflag:$0x6], $0x2000, $0x38;
	[tilespmem:$0xCE20] =	vst v63  }
0x7b: {  	s12 =	simm.s32 @!p0 $0xAE20;
	s15 =	simm.s32 @!p0 $0x6  }
0x7c: {  	[hbm4b:s10+s11] =	stream.linear.scatter @!p0 [tilespmem:s12], [sflag:$0x8], $0x2000, $0x38;
	[tilespmem:$0xCE20] =	vst v63  }
0x7d: {  	_ =	swait.ge @!p0 [sflag:s15], $0x2000  }
0x7e: {  	[sflag:s15] =	ssyncset.done @!p0 $0x0  }
0x7f: {  	s10 =	simm.s32 @!p0 $0x8;
	[sflag:s15] =	ssyncadd.s32 @!p0 $0xFFFFE000  }
0x80: {  	_ =	swait.ge @!p0 [sflag:s10], $0x2000  }
0x81: {  	[sflag:s10] =	ssyncset.done @!p0 $0x0  }
0x82: {  	s11 =	sadd.s32 $0x200, s9;
	[sflag:s10] =	ssyncadd.s32 @!p0 $0xFFFFE000  }
0x83: {  	[tilespmem:s28], [sflag:$0x2] =	stream.indirect.gather [hbm4b:s5+s18], $0x10, s11, s18, $0xb8;
	[tilespmem:$0xCE20] =	vst v63  }
0x84: {  	s12 =	sadd.s32 $0x2910, s9  }
0x85: {  	[tilespmem:s29], [sflag:$0x4] =	stream.indirect.gather [hbm4b:s5+s18], $0x10, s12, s18, $0xb8;
	[tilespmem:$0xCE20] =	vst v63  }
0x86: {  	s15 =	sadd.s32 $0x280, s9  }
0x87: {  	[tilespmem:s30], [sflag:$0x2] =	stream.indirect.gather [hbm4b:s5+s18], $0x10, s15, s18, $0xb8;
	[tilespmem:$0xCE20] =	vst v63  }
0x88: {  	s11 =	sadd.s32 $0x2990, s9  }
0x89: {  	[tilespmem:s31], [sflag:$0x4] =	stream.indirect.gather [hbm4b:s5+s18], $0x10, s11, s18, $0xb8;
	[tilespmem:$0xCE20] =	vst v63  }
0x8a: {  	s12 =	sadd.s32 $0x300, s9  }
0x8b: {  	[tilespmem:s1], [sflag:$0x2] =	stream.indirect.gather [hbm4b:s5+s18], $0x10, s12, s18, $0xb8;
	[tilespmem:$0xCE20] =	vst v63  }
0x8c: {  	s15 =	sadd.s32 $0x2A10, s9  }
0x8d: {  	[tilespmem:s0], [sflag:$0x4] =	stream.indirect.gather [hbm4b:s5+s18], $0x10, s15, s18, $0xb8;
	[tilespmem:$0xCE20] =	vst v63  }
0x8e: {  	s11 =	rddreg [dreg:$0x6];
	s12 =	sadd.s32 $0x380, s9  }
0x8f: {  	[tilespmem:s11], [sflag:$0x2] =	stream.indirect.gather [hbm4b:s5+s18], $0x10, s12, s18, $0xb8;
	[tilespmem:$0xCE20] =	vst v63  }
0x90: {  	s9 =	sadd.s32 $0x2A90, s9;
	s15 =	rddreg [dreg:$0x7]  }
0x91: {  	[tilespmem:s15], [sflag:$0x4] =	stream.indirect.gather [hbm4b:s5+s18], $0x10, s9, s18, $0xb8;
	[tilespmem:$0xCE20] =	vst v63  }
0x92: {  	s7 =	sadd.s32 $0x1000, s7;
	_ =	swait.ge [sflag:s17], $0x2000  }
0x93: {  	p1 =	sne.s32 s7, $0x9000;
	[sflag:s17] =	ssyncset.done $0x0  }
.Ltmp0:
0x94: {  	[sflag:s17] =	ssyncadd.s32 $0xFFFFE000;
	(pc) =	sbr.rel @p1 .LBB2_2-.Ltmp0, $4  }
0x95: {  	s8 =	smov.u32 s13;
	_ =	swait.ge [sflag:s6], $0x2000  }
0x96: {  	s13 =	sadd.s32 $0x800, s13;
	p0 =	seq.s32 s16, $0x0;
	[sflag:s6] =	ssyncset.done $0x0  }
0x97: {  	s9 =	sadd.s32 s8, s3;
	s8 =	sadd.s32 s8, s2;
	[sflag:s6] =	ssyncadd.s32 $0xFFFFE000  }
0x98: {  	[hbm4b:s8+s4] =	stream.linear.scatter [tilespmem:s19], [sflag:$0x5], $0x2000, $0x38;
	[tilespmem:$0xCE20] =	vst v63  }
0x99: {  	s7 =	simm.s32 @!p0 $0x5  }
0x9a: {  	[hbm4b:s9+s4] =	stream.linear.scatter [tilespmem:s20], [sflag:$0x7], $0x2000, $0x38;
	[tilespmem:$0xCE20] =	vst v63  }
0x9b: {  	_ =	swait.ge @!p0 [sflag:s7], $0x2000  }
0x9c: {  	[sflag:s7] =	ssyncset.done @!p0 $0x0  }
0x9d: {  	[sflag:s7] =	ssyncadd.s32 @!p0 $0xFFFFE000;
	s7 =	simm.s32 @!p0 $0x7  }
0x9e: {  	_ =	swait.ge @!p0 [sflag:s7], $0x2000  }
0x9f: {  	[sflag:s7] =	ssyncset.done @!p0 $0x0  }
0xa0: {  	[sflag:s7] =	ssyncadd.s32 @!p0 $0xFFFFE000;
	s7 =	sshra.s32 s16, $0x2  }
0xa1: {  	[tilespmem:s19], [sflag:$0x1] =	stream.indirect.gather [hbm4b:s5+s18], $0x10, s7, s18, $0xb8;
	[tilespmem:$0xCE20] =	vst v63  }
0xa2: {  	s8 =	sadd.s32 $0x2710, s7  }
0xa3: {  	[tilespmem:s20], [sflag:$0x3] =	stream.indirect.gather [hbm4b:s5+s18], $0x10, s8, s18, $0xb8;
	[tilespmem:$0xCE20] =	vst v63  }
0xa4: {  	s12 =	sadd.s32 $0x80, s7  }
0xa5: {  	[tilespmem:s21], [sflag:$0x1] =	stream.indirect.gather [hbm4b:s5+s18], $0x10, s12, s18, $0xb8;
	[tilespmem:$0xCE20] =	vst v63  }
0xa6: {  	s15 =	sadd.s32 $0x2790, s7  }
0xa7: {  	[tilespmem:s22], [sflag:$0x3] =	stream.indirect.gather [hbm4b:s5+s18], $0x10, s15, s18, $0xb8;
	[tilespmem:$0xCE20] =	vst v63  }
0xa8: {  	s16 =	sadd.s32 $0x100, s7  }
0xa9: {  	[tilespmem:s23], [sflag:$0x1] =	stream.indirect.gather [hbm4b:s5+s18], $0x10, s16, s18, $0xb8;
	[tilespmem:$0xCE20] =	vst v63  }
0xaa: {  	s9 =	sadd.s32 $0x2810, s7  }
0xab: {  	[tilespmem:s24], [sflag:$0x3] =	stream.indirect.gather [hbm4b:s5+s18], $0x10, s9, s18, $0xb8;
	[tilespmem:$0xCE20] =	vst v63  }
0xac: {  	s10 =	sadd.s32 $0x180, s7  }
0xad: {  	[tilespmem:s25], [sflag:$0x1] =	stream.indirect.gather [hbm4b:s5+s18], $0x10, s10, s18, $0xb8;
	[tilespmem:$0xCE20] =	vst v63  }
0xae: {  	s11 =	sadd.s32 $0x2890, s7;
	s9 =	simm.s32 @!p0 $0x2  }
0xaf: {  	[tilespmem:s26], [sflag:$0x3] =	stream.indirect.gather [hbm4b:s5+s18], $0x10, s11, s18, $0xb8;
	[tilespmem:$0xCE20] =	vst v63  }
0xb0: {  	_ =	swait.ge @!p0 [sflag:s9], $0x2000  }
0xb1: {  	[sflag:s9] =	ssyncset.done @!p0 $0x0  }
0xb2: {  	s8 =	sadd.s32 @!p0 $0x1FFFFC00, s13;
	[sflag:s9] =	ssyncadd.s32 @!p0 $0xFFFFE000;
	s9 =	simm.s32 @!p0 $0x4  }
0xb3: {  	s8 =	sand.u32 @!p0 $0x1FFFFFE0, s8;
	_ =	swait.ge @!p0 [sflag:s9], $0x2000  }
0xb4: {  	s10 =	sadd.s32 @!p0 s2, s8;
	[sflag:s9] =	ssyncset.done @!p0 $0x0  }
0xb5: {  	s11 =	simm.s32 @!p0 $0x6E20;
	[sflag:s9] =	ssyncadd.s32 @!p0 $0xFFFFE000;
	s9 =	simm.s32 @!p0 $0x0  }
0xb6: {  	[hbm4b:s10+s9] =	stream.linear.scatter @!p0 [tilespmem:s11], [sflag:$0x6], $0x2000, $0x38;
	[tilespmem:$0xCE20] =	vst v63  }
0xb7: {  	s8 =	sadd.s32 @!p0 s3, s8;
	s10 =	simm.s32 @!p0 $0xAE20  }
0xb8: {  	[hbm4b:s8+s9] =	stream.linear.scatter @!p0 [tilespmem:s10], [sflag:$0x8], $0x2000, $0x38;
	[tilespmem:$0xCE20] =	vst v63  }
0xb9: {  	s8 =	simm.s32 @!p0 $0x6  }
0xba: {  	_ =	swait.ge @!p0 [sflag:s8], $0x2000  }
0xbb: {  	[sflag:s8] =	ssyncset.done @!p0 $0x0  }
0xbc: {  	[sflag:s8] =	ssyncadd.s32 @!p0 $0xFFFFE000;
	s8 =	simm.s32 @!p0 $0x8  }
0xbd: {  	_ =	swait.ge @!p0 [sflag:s8], $0x2000  }
0xbe: {  	[sflag:s8] =	ssyncset.done @!p0 $0x0  }
0xbf: {  	s12 =	sadd.s32 $0x200, s7;
	[sflag:s8] =	ssyncadd.s32 @!p0 $0xFFFFE000  }
0xc0: {  	[tilespmem:s28], [sflag:$0x2] =	stream.indirect.gather [hbm4b:s5+s18], $0x10, s12, s18, $0xb8;
	[tilespmem:$0xCE20] =	vst v63  }
0xc1: {  	s15 =	sadd.s32 $0x2910, s7  }
0xc2: {  	[tilespmem:s29], [sflag:$0x4] =	stream.indirect.gather [hbm4b:s5+s18], $0x10, s15, s18, $0xb8;
	[tilespmem:$0xCE20] =	vst v63  }
0xc3: {  	s16 =	sadd.s32 $0x280, s7  }
0xc4: {  	[tilespmem:s30], [sflag:$0x2] =	stream.indirect.gather [hbm4b:s5+s18], $0x10, s16, s18, $0xb8;
	[tilespmem:$0xCE20] =	vst v63  }
0xc5: {  	s9 =	sadd.s32 $0x2990, s7  }
0xc6: {  	[tilespmem:s31], [sflag:$0x4] =	stream.indirect.gather [hbm4b:s5+s18], $0x10, s9, s18, $0xb8;
	[tilespmem:$0xCE20] =	vst v63  }
0xc7: {  	s10 =	sadd.s32 $0x300, s7  }
0xc8: {  	[tilespmem:s1], [sflag:$0x2] =	stream.indirect.gather [hbm4b:s5+s18], $0x10, s10, s18, $0xb8;
	[tilespmem:$0xCE20] =	vst v63  }
0xc9: {  	s11 =	sadd.s32 $0x2A10, s7  }
0xca: {  	[tilespmem:s0], [sflag:$0x4] =	stream.indirect.gather [hbm4b:s5+s18], $0x10, s11, s18, $0xb8;
	[tilespmem:$0xCE20] =	vst v63  }
0xcb: {  	s12 =	rddreg [dreg:$0x6];
	s15 =	sadd.s32 $0x380, s7  }
0xcc: {  	[tilespmem:s12], [sflag:$0x2] =	stream.indirect.gather [hbm4b:s5+s18], $0x10, s15, s18, $0xb8;
	[tilespmem:$0xCE20] =	vst v63  }
0xcd: {  	s7 =	sadd.s32 $0x2A90, s7;
	s16 =	rddreg [dreg:$0x7]  }
0xce: {  	[tilespmem:s16], [sflag:$0x4] =	stream.indirect.gather [hbm4b:s5+s18], $0x10, s7, s18, $0xb8;
	[tilespmem:$0xCE20] =	vst v63  }
0xcf: {  	_ =	swait.ge [sflag:s17], $0x2000  }
0xd0: {  	[sflag:s17] =	ssyncset.done $0x0  }
0xd1: {  	[sflag:s17] =	ssyncadd.s32 $0xFFFFE000  }
0xd2: {  	_ =	swait.ge [sflag:s6], $0x2000  }
0xd3: {  	[sflag:s6] =	ssyncset.done $0x0  }
0xd4: {  	s9 =	sadd.s32 s13, s2;
	[sflag:s6] =	ssyncadd.s32 $0xFFFFE000  }
0xd5: {  	[hbm4b:s9+s4] =	stream.linear.scatter [tilespmem:s19], [sflag:$0x5], $0x2000, $0x38;
	[tilespmem:$0xCE20] =	vst v63  }
0xd6: {  	s8 =	simm.s32 $0x5;
	s10 =	sadd.s32 s13, s3  }
0xd7: {  	[hbm4b:s10+s4] =	stream.linear.scatter [tilespmem:s20], [sflag:$0x7], $0x2000, $0x38;
	[tilespmem:$0xCE20] =	vst v63  }
0xd8: {  	_ =	swait.ge [sflag:s8], $0x2000  }
0xd9: {  	[sflag:s8] =	ssyncset.done $0x0  }
0xda: {  	s9 =	simm.s32 $0x7;
	[sflag:s8] =	ssyncadd.s32 $0xFFFFE000  }
0xdb: {  	_ =	swait.ge [sflag:s9], $0x2000  }
0xdc: {  	[sflag:s9] =	ssyncset.done $0x0  }
0xdd: {  	s11 =	simm.s32 $0x2400;
	[sflag:s9] =	ssyncadd.s32 $0xFFFFE000  }
0xde: {  	[tilespmem:s19], [sflag:$0x1] =	stream.indirect.gather [hbm4b:s5+s18], $0x10, s11, s18, $0xb8;
	[tilespmem:$0xCE20] =	vst v63  }
0xdf: {  	s12 =	simm.s32 $0x4B10  }
0xe0: {  	[tilespmem:s20], [sflag:$0x3] =	stream.indirect.gather [hbm4b:s5+s18], $0x10, s12, s18, $0xb8;
	[tilespmem:$0xCE20] =	vst v63  }
0xe1: {  	s13 =	simm.s32 $0x2480  }
0xe2: {  	[tilespmem:s21], [sflag:$0x1] =	stream.indirect.gather [hbm4b:s5+s18], $0x10, s13, s18, $0xb8;
	[tilespmem:$0xCE20] =	vst v63  }
0xe3: {  	s15 =	simm.s32 $0x4B90  }
0xe4: {  	[tilespmem:s22], [sflag:$0x3] =	stream.indirect.gather [hbm4b:s5+s18], $0x10, s15, s18, $0xb8;
	[tilespmem:$0xCE20] =	vst v63  }
0xe5: {  	s16 =	simm.s32 $0x2500  }
0xe6: {  	[tilespmem:s23], [sflag:$0x1] =	stream.indirect.gather [hbm4b:s5+s18], $0x10, s16, s18, $0xb8;
	[tilespmem:$0xCE20] =	vst v63  }
0xe7: {  	s10 =	simm.s32 $0x4C10  }
0xe8: {  	[tilespmem:s24], [sflag:$0x3] =	stream.indirect.gather [hbm4b:s5+s18], $0x10, s10, s18, $0xb8;
	[tilespmem:$0xCE20] =	vst v63  }
0xe9: {  	s11 =	simm.s32 $0x2580  }
0xea: {  	[tilespmem:s25], [sflag:$0x1] =	stream.indirect.gather [hbm4b:s5+s18], $0x10, s11, s18, $0xb8;
	[tilespmem:$0xCE20] =	vst v63  }
0xeb: {  	s12 =	simm.s32 $0x4C90;
	s10 =	simm.s32 $0x2  }
0xec: {  	[tilespmem:s26], [sflag:$0x3] =	stream.indirect.gather [hbm4b:s5+s18], $0x10, s12, s18, $0xb8;
	[tilespmem:$0xCE20] =	vst v63  }
0xed: {  	_ =	swait.ge [sflag:s10], $0x2000  }
0xee: {  	[sflag:s10] =	ssyncset.done $0x0  }
0xef: {  	s11 =	simm.s32 $0x4;
	[sflag:s10] =	ssyncadd.s32 $0xFFFFE000  }
0xf0: {  	_ =	swait.ge [sflag:s11], $0x2000  }
0xf1: {  	[sflag:s11] =	ssyncset.done $0x0  }
0xf2: {  	s13 =	rddreg [dreg:$0xa];
	[sflag:s11] =	ssyncadd.s32 $0xFFFFE000  }
0xf3: {  	[hbm4b:s13+s4] =	stream.linear.scatter [tilespmem:s28], [sflag:$0x6], $0x2000, $0x38;
	[tilespmem:$0xCE20] =	vst v63  }
0xf4: {  	s12 =	simm.s32 $0x6;
	s15 =	rddreg [dreg:$0xb]  }
0xf5: {  	[hbm4b:s15+s4] =	stream.linear.scatter [tilespmem:s29], [sflag:$0x8], $0x2000, $0x38;
	[tilespmem:$0xCE20] =	vst v63  }
0xf6: {  	_ =	swait.ge [sflag:s12], $0x2000  }
0xf7: {  	[sflag:s12] =	ssyncset.done $0x0  }
0xf8: {  	s13 =	simm.s32 $0x8;
	[sflag:s12] =	ssyncadd.s32 $0xFFFFE000  }
0xf9: {  	_ =	swait.ge [sflag:s13], $0x2000  }
0xfa: {  	[sflag:s13] =	ssyncset.done $0x0  }
0xfb: {  	s16 =	simm.s32 $0x2600;
	[sflag:s13] =	ssyncadd.s32 $0xFFFFE000  }
0xfc: {  	[tilespmem:s28], [sflag:$0x2] =	stream.indirect.gather [hbm4b:s5+s18], $0x10, s16, s18, $0xb8;
	[tilespmem:$0xCE20] =	vst v63  }
0xfd: {  	s15 =	simm.s32 $0x4D10  }
0xfe: {  	[tilespmem:s29], [sflag:$0x4] =	stream.indirect.gather [hbm4b:s5+s18], $0x10, s15, s18, $0xb8;
	[tilespmem:$0xCE20] =	vst v63  }
0xff: {  	s16 =	simm.s32 $0x2680  }
0x100: {  	[tilespmem:s30], [sflag:$0x2] =	stream.indirect.gather [hbm4b:s5+s18], $0x10, s16, s18, $0xb8;
	[tilespmem:$0xCE20] =	vst v63  }
0x101: {  	s15 =	simm.s32 $0x4D90  }
0x102: {  	[tilespmem:s31], [sflag:$0x4] =	stream.indirect.gather [hbm4b:s5+s18], $0x10, s15, s18, $0xb8;
	[tilespmem:$0xCE20] =	vst v63  }
0x103: {  	s7 =	simm.s32 $0x10;
	s15 =	simm.s32 $0x2700  }
0x104: {  	[tilespmem:s1], [sflag:$0x2] =	stream.indirect.gather [hbm4b:s5+s7], $0x10, s15, s7, $0xb8;
	[tilespmem:$0xCE20] =	vst v63  }
0x105: {  	s16 =	simm.s32 $0x4E10  }
0x106: {  	[tilespmem:s0], [sflag:$0x4] =	stream.indirect.gather [hbm4b:s5+s7], $0x10, s16, s7, $0xb8;
	[tilespmem:$0xCE20] =	vst v63  }
0x107: {  	_ =	swait.ge [sflag:s17], $0x2000  }
0x108: {  	[sflag:s17] =	ssyncset.done $0x0  }
0x109: {  	[sflag:s17] =	ssyncadd.s32 $0xFFFFE000  }
0x10a: {  	_ =	swait.ge [sflag:s6], $0x2000  }
0x10b: {  	[sflag:s6] =	ssyncset.done $0x0  }
0x10c: {  	s15 =	rddreg [dreg:$0xc];
	[sflag:s6] =	ssyncadd.s32 $0xFFFFE000  }
0x10d: {  	[hbm4b:s15+s4] =	stream.linear.scatter [tilespmem:s19], [sflag:$0x5], $0x2000, $0x38;
	[tilespmem:$0xCE20] =	vst v63  }
0x10e: {  	s16 =	rddreg [dreg:$0xd]  }
0x10f: {  	[hbm4b:s16+s4] =	stream.linear.scatter [tilespmem:s20], [sflag:$0x7], $0x2000, $0x38;
	[tilespmem:$0xCE20] =	vst v63  }
0x110: {  	_ =	swait.ge [sflag:s10], $0x1100  }
0x111: {  	[sflag:s10] =	ssyncset.done $0x0  }
0x112: {  	[sflag:s10] =	ssyncadd.s32 $0xFFFFEF00  }
0x113: {  	_ =	swait.ge [sflag:s11], $0x1100  }
0x114: {  	[sflag:s11] =	ssyncset.done $0x0  }
0x115: {  	[sflag:s11] =	ssyncadd.s32 $0xFFFFEF00;
	s11 =	rddreg [dreg:$0xe]  }
0x116: {  	[hbm4b:s11+s4] =	stream.linear.scatter [tilespmem:s28], [sflag:$0x6], $0x1100, $0x38;
	[tilespmem:$0xCE20] =	vst v63  }
0x117: {  	s15 =	rddreg [dreg:$0xf]  }
0x118: {  	[hbm4b:s15+s4] =	stream.linear.scatter [tilespmem:s29], [sflag:$0x8], $0x1100, $0x38;
	[tilespmem:$0xCE20] =	vst v63  }
0x119: {  	_ =	swait.ge [sflag:s8], $0x2000  }
0x11a: {  	[sflag:s8] =	ssyncset.done $0x0  }
0x11b: {  	[sflag:s8] =	ssyncadd.s32 $0xFFFFE000  }
0x11c: {  	_ =	swait.ge [sflag:s9], $0x2000  }
0x11d: {  	[sflag:s9] =	ssyncset.done $0x0  }
0x11e: {  	[sflag:s9] =	ssyncadd.s32 $0xFFFFE000  }
0x11f: {  	_ =	swait.ge [sflag:s12], $0x1100  }
0x120: {  	[sflag:s12] =	ssyncset.done $0x0  }
0x121: {  	[sflag:s12] =	ssyncadd.s32 $0xFFFFEF00  }
0x122: {  	_ =	swait.ge [sflag:s13], $0x1100  }
0x123: {  	s14 =	sadd.s32 $0x1, s14;
	s16 =	rddreg [dreg:$0x10]  }
0x124: {  	p0 =	sne.s32 s14, s16  }
.Ltmp1:
0x125: {  	_ = 	snop;
	(pc) =	sbr.rel @p0 .LBB2_1-.Ltmp1, $3  }
0x126: {  	_ =	sdelay $0x1  }
0x127: {  	[sflag:s13] =	ssyncset.done $0x0  }
0x128: {  	[sflag:s13] =	ssyncadd.s32 $0xFFFFEF00  }
0x129: {  	_ =	sfence.sel $0x180000  }
0x12a: {  	[bflag:$0x0] =	sbarrier.arrive $0xFFFF  }
0x12b: {  	_ =	strace $0x90000047  }
0x12c: {  	s0 =	stileid.u32;
	[bflag:$0x2] =	sbarrier.arrive $0xFFFF  }
0x12d: {  	p0 =	sne.s32 s0, $0x0;
	s0 =	rddreg [dreg:$0x5]  }
0x12e: {  	s0 =	sadd.s32 @!p0 $0x100000, s0  }
0x12f: {  	[sflag:s0] =	ssyncadd.tile.s32 @!p0 $0x1;
	_ =	shalt  }
.Lfunc_end2:
_tile_overlayer_lowered:
.L_overlay_start_2:
0x130: {  	(tag) =	ssettag $0x2  }
0x131: {  	s0 =	rddreg [dreg:$0x0];
	s2 =	stileid.u32  }
0x132: {  	s1 =	rddreg [dreg:$0x1];
	p0 =	sne.s32 s2, $0x0  }
0x133: {  	s3 =	rddreg [dreg:$0x2];
	[bflag:$0x3] =	sbarrier.arrive $0xFFFF;
	s2 =	simm.s32 @!p0 $0x1C09  }
0x134: {  	[timem:s3], [sflag:s2] =	dma.local @!p0 [hbm:s0], s1  }
0x135: {  	s0 =	simm.s32 @!p0 $0x9  }
0x136: {  	_ =	swait.ge @!p0 [sflag:s0], s1  }
0x137: {  	s1 =	ssub.s32 @!p0 $0x0, s1;
	[sflag:s0] =	ssyncset.done @!p0 $0x0  }
0x138: {  	[sflag:s0] =	ssyncadd.s32 @!p0 s1  }
0x139: {  	[bflag:$0x3] =	sbarrier.arrive $0xFFFF  }
0x13a: {  	_ =	shalt  }

</sc_bundles>
